<compile_context>
chip_gen: v7x
topology: tpu7x:2x2x1
jax: 0.10.2.dev20260603
libtpu: 0.0.44.dev20260713+nightly
codegen_flags: <defaults>
</compile_context>

<pallas_src>
import functools

import jax
import jax.numpy as jnp
from jax import lax
from jax.experimental import pallas as pl
from jax.experimental.pallas import tpu as pltpu
from jax.experimental.pallas import tpu_sc as plsc

N = 10000
D = 128
DLAT = 64
E = 320000

NC = 2
NS = 16
NW = NC * NS
CHUNK = 128
NCHUNK = 80
EPW = NCHUNK * CHUNK
EPAD = EPW * NW
FAST_CORE = 0
NCA = 106
NCB = 51
SSK = 2
EPAD2 = (NCA + NCB) * NS * CHUNK
NACC = 10112
ROWS_PER_TILE = NACC // NS
DEGW = 128

_MESH = plsc.VectorSubcoreMesh(core_axis_name="c", subcore_axis_name="s")



def _segsum_sc(feat, srcp, dstp, zeros):

    @functools.partial(
        pl.kernel,
        mesh=_MESH,
        out_type=jax.ShapeDtypeStruct((NC, NACC, D), jnp.float32),
        scratch_types=(
            [pltpu.VMEM((CHUNK,), jnp.int32)] * (2 * SSK)
            + [pltpu.VMEM((CHUNK, D), jnp.float32)] * SSK
            + [pltpu.VMEM_SHARED((NACC, D), jnp.float32)]
            + [pltpu.SemaphoreType.DMA] * (SSK + 2)
        ),
    )
    def k(feat_hbm, src_hbm, dst_hbm, zero_hbm, out_hbm, *rest):
        srcs = rest[:SSK]
        dsts = rest[SSK:2 * SSK]
        bufs = rest[2 * SSK:3 * SSK]
        acc = rest[3 * SSK]
        gsem = rest[3 * SSK + 1:3 * SSK + 1 + SSK]
        isem, ssem = rest[3 * SSK + 1 + SSK:]
        c = lax.axis_index("c")
        s = lax.axis_index("s")
        r0 = s * ROWS_PER_TILE
        pltpu.sync_copy(zero_hbm.at[pl.ds(r0, ROWS_PER_TILE)],
                        acc.at[pl.ds(r0, ROWS_PER_TILE)])
        plsc.subcore_barrier()

        @pl.when(c == FAST_CORE)
        def _():
            base = s * NCA * CHUNK

            def bodyf(g, carry):
                off = base + g * SSK * CHUNK
                icp = ([pltpu.async_copy(
                            src_hbm.at[pl.ds(off + b * CHUNK, CHUNK)],
                            srcs[b], isem) for b in range(SSK)]
                       + [pltpu.async_copy(
                            dst_hbm.at[pl.ds(off + b * CHUNK, CHUNK)],
                            dsts[b], isem) for b in range(SSK)])
                for cp in icp:
                    cp.wait()
                gcp = [pltpu.async_copy(feat_hbm.at[srcs[b]], bufs[b],
                                        gsem[b]) for b in range(SSK)]
                scp = []
                for b in range(SSK):
                    gcp[b].wait()
                    scp.append(pltpu.async_copy(bufs[b], acc.at[dsts[b]],
                                                ssem, add=True))
                for cp in scp:
                    cp.wait()
                return carry

            lax.fori_loop(0, NCA // SSK, bodyf, 0)

        @pl.when(c != FAST_CORE)
        def _():
            base = (NS * NCA + s * NCB) * CHUNK

            def bodys(i, carry):
                off = base + i * CHUNK
                pltpu.sync_copy(src_hbm.at[pl.ds(off, CHUNK)], srcs[0])
                pltpu.sync_copy(dst_hbm.at[pl.ds(off, CHUNK)], dsts[0])
                pltpu.async_copy(feat_hbm.at[srcs[0]], bufs[0],
                                 gsem[0]).wait()
                pltpu.sync_copy(bufs[0], acc.at[dsts[0]], add=True)
                return carry

            lax.fori_loop(0, NCB, bodys, 0)
        plsc.subcore_barrier()
        pltpu.sync_copy(acc.at[pl.ds(r0, ROWS_PER_TILE)],
                        out_hbm.at[c, pl.ds(r0, ROWS_PER_TILE)])

    return k(feat, srcp, dstp, zeros)


_DEGK = 8


def _degcount_sc(dst3, ones, zeros16):

    @functools.partial(
        pl.kernel,
        mesh=_MESH,
        out_type=jax.ShapeDtypeStruct((NC, NACC, DEGW), jnp.float32),
        scratch_types=(
            [pltpu.VMEM((CHUNK,), jnp.int32)] * _DEGK
            + [pltpu.VMEM((CHUNK, DEGW), jnp.float32),
               pltpu.VMEM_SHARED((NACC, DEGW), jnp.float32),
               pltpu.SemaphoreType.DMA,
               pltpu.SemaphoreType.DMA]
        ),
    )
    def k(dst_hbm, ones_hbm, zero_hbm, out_hbm, *rest):
        idxs = rest[:_DEGK]
        ones_v, acc, isem, sem = rest[_DEGK:]
        c = lax.axis_index("c")
        s = lax.axis_index("s")
        wid = s * NC + c
        r0 = s * ROWS_PER_TILE
        pltpu.sync_copy(zero_hbm.at[pl.ds(r0, ROWS_PER_TILE)],
                        acc.at[pl.ds(r0, ROWS_PER_TILE)])
        pltpu.sync_copy(ones_hbm, ones_v)
        plsc.subcore_barrier()
        base = wid * NCHUNK

        def body(g, carry):
            off = (base + g * _DEGK) * CHUNK
            icp = [pltpu.async_copy(
                dst_hbm.at[pl.ds(off + b * CHUNK, CHUNK)],
                idxs[b], isem) for b in range(_DEGK)]
            for cp in icp:
                cp.wait()
            scp = [pltpu.async_copy(ones_v, acc.at[idxs[b]],
                                    sem, add=True) for b in range(_DEGK)]
            for cp in scp:
                cp.wait()
            return carry

        lax.fori_loop(0, NCHUNK // _DEGK, body, 0)
        plsc.subcore_barrier()
        pltpu.sync_copy(acc.at[pl.ds(r0, ROWS_PER_TILE)],
                        out_hbm.at[c, pl.ds(r0, ROWS_PER_TILE)])

    return k(dst3, ones, zeros16)



def _prep_tc(deg_parts, x):

    def body(dp_ref, x_ref, dinv_ref, xt_ref):
        deg = dp_ref[0, :N, 0:1] + dp_ref[1, :N, 0:1] + 1.0
        dinv = lax.rsqrt(deg)
        dinv_ref[...] = jnp.broadcast_to(dinv, (N, 8))
        xt_ref[:N, :] = x_ref[...] * dinv
        xt_ref[N:, :] = jnp.zeros((NACC - N, D), jnp.float32)

    return pl.pallas_call(
        body,
        out_shape=(jax.ShapeDtypeStruct((N, 8), jnp.float32),
                   jax.ShapeDtypeStruct((NACC, D), jnp.float32)),
    )(deg_parts, x)


def _hidden_tc(P, xt, dinv8, W1):

    def body(p_ref, xt_ref, dinv_ref, w1_ref, ht_ref):
        dinv = dinv_ref[:, 0:1]
        a1 = dinv * (p_ref[0, :N, :] + p_ref[1, :N, :] + xt_ref[:N, :])
        h = jnp.maximum(
            jnp.dot(a1, w1_ref[...], preferred_element_type=jnp.float32), 0.0)
        ht_ref[:N, :] = h * dinv
        ht_ref[N:, :] = jnp.zeros((NACC - N, D), jnp.float32)

    return pl.pallas_call(
        body,
        out_shape=jax.ShapeDtypeStruct((NACC, D), jnp.float32),
    )(P, xt, dinv8, W1)


def _heads_tc(P2, ht, dinv8, Wmu, Wls, Wdec, bdec2d, mask):

    def body(p_ref, ht_ref, dinv_ref, wmu_ref, wls_ref, wd_ref, b_ref,
             m_ref, mu_ref, ls_ref, ex_ref):
        dinv = dinv_ref[:, 0:1]
        a2 = dinv * (p_ref[0, :N, :] + p_ref[1, :N, :] + ht_ref[:N, :])
        mu = jnp.dot(a2, wmu_ref[...], preferred_element_type=jnp.float32)
        mu_ref[...] = mu
        ls_ref[...] = jnp.dot(a2, wls_ref[...],
                              preferred_element_type=jnp.float32)
        wd = wd_ref[...] * m_ref[...]
        logits = lax.dot_general(mu, wd, (((1,), (1,)), ((), ())),
                                 preferred_element_type=jnp.float32)
        logits = logits + b_ref[...]
        mx = jnp.max(logits, axis=1, keepdims=True)
        e = jnp.exp(logits - mx)
        ex_ref[...] = e / jnp.sum(e, axis=1, keepdims=True)

    return pl.pallas_call(
        body,
        out_shape=(jax.ShapeDtypeStruct((N, DLAT), jnp.float32),
                   jax.ShapeDtypeStruct((N, DLAT), jnp.float32),
                   jax.ShapeDtypeStruct((N, D), jnp.float32)),
    )(P2, ht, dinv8, Wmu, Wls, Wdec, bdec2d, mask)


_TM, _TN = 1024, 2048


def _adj_tc(mu):

    def body(a_ref, b_ref, o_ref):
        o_ref[...] = lax.dot_general(
            a_ref[...], b_ref[...], (((1,), (1,)), ((), ())),
            preferred_element_type=jnp.float32)

    return pl.pallas_call(
        body,
        grid=(pl.cdiv(N, _TM), pl.cdiv(N, _TN)),
        in_specs=[pl.BlockSpec((_TM, DLAT), lambda i, j: (i, 0)),
                  pl.BlockSpec((_TN, DLAT), lambda i, j: (j, 0))],
        out_specs=pl.BlockSpec((_TM, _TN), lambda i, j: (i, j)),
        out_shape=jax.ShapeDtypeStruct((N, N), jnp.float32),
    )(mu, mu)



def kernel(x, edge_index, W1, Wmu, Wlogstd, Wdec, bdec, mask):
    src = edge_index[0].astype(jnp.int32)
    dst = edge_index[1].astype(jnp.int32)
    pad = jnp.full((EPAD - E,), N, jnp.int32)
    dstp1 = jnp.concatenate([dst, pad])
    pad2 = jnp.full((EPAD2 - E,), N, jnp.int32)
    srcp2 = jnp.concatenate([src, pad2])
    dstp2 = jnp.concatenate([dst, pad2])
    zeros = jnp.zeros((NACC, D), jnp.float32)
    zeros16 = jnp.zeros((NACC, DEGW), jnp.float32)
    ones16 = jnp.ones((CHUNK, DEGW), jnp.float32)

    degp = _degcount_sc(dstp1, ones16, zeros16)
    dinv8, xt = _prep_tc(degp, x)
    P1 = _segsum_sc(xt, srcp2, dstp2, zeros)
    ht = _hidden_tc(P1, xt, dinv8, W1)
    P2 = _segsum_sc(ht, srcp2, dstp2, zeros)
    mu, logstd, expr = _heads_tc(P2, ht, dinv8, Wmu, Wlogstd, Wdec,
                                 bdec.reshape(1, D), mask)
    adj = _adj_tc(mu)
    return (adj, expr, mu, logstd)

# --- scband reference (transcript-rebuilt; emitter-appended) ---
"""Pipeline reference for scband-ivgae-18064632447352 (READ-ONLY COPY).

The authoritative reference and input builder live on the scoring server;
editing this copy changes nothing except your own understanding.
"""

import jax, jax.numpy as jnp
import numpy as np

N = 10000
E = 320000
D_IN = 128
D_HID = 128
D_LAT = 64
D_OUT = 128


def setup_inputs(seed: int = 0) -> dict:
    key = jax.random.key(seed)
    k = jax.random.split(key, 10)
    x = jax.random.normal(k[0], (N, D_IN), dtype=jnp.float32)
    edge_index = jax.random.randint(k[1], (2, E), 0, N, dtype=jnp.int64)
    W1 = jax.random.normal(k[2], (D_IN, D_HID), dtype=jnp.float32) * (1.0 / np.sqrt(D_IN))
    Wmu = jax.random.normal(k[3], (D_HID, D_LAT), dtype=jnp.float32) * (1.0 / np.sqrt(D_HID))
    Wlogstd = jax.random.normal(k[4], (D_HID, D_LAT), dtype=jnp.float32) * (1.0 / np.sqrt(D_HID))
    Wdec = jax.random.normal(k[5], (D_OUT, D_LAT), dtype=jnp.float32) * (1.0 / np.sqrt(D_LAT))
    bdec = jnp.zeros((D_OUT,), dtype=jnp.float32)
    mask = jnp.ones((D_OUT, D_LAT), dtype=jnp.float32)
    return {"x": x, "edge_index": edge_index, "W1": W1, "Wmu": Wmu, "Wlogstd": Wlogstd, "Wdec": Wdec, "bdec": bdec, "mask": mask}


def _gcn_conv(x, W, src, dst, dinv):
    # GCNConv: D^-1/2 (A + I) D^-1/2 X W
    h = x @ W
    norm = (dinv[src] * dinv[dst])[:, None]
    msg = h[src] * norm
    out = jax.ops.segment_sum(msg, dst, num_segments=N)
    # self-loop contribution
    out = out + h * (dinv * dinv)[:, None]
    return out


def reference(x, edge_index, W1, Wmu, Wlogstd, Wdec, bdec, mask):
    src = edge_index[0]
    dst = edge_index[1]
    deg = jnp.bincount(dst, length=N).astype(jnp.float32) + 1.0  # +1 for self loop
    dinv = 1.0 / jnp.sqrt(deg)
    # GCNEncoder: shared hidden conv + relu, then mu / logstd convs (dropout=0.0, eval)
    h = jax.nn.relu(_gcn_conv(x, W1, src, dst, dinv))
    mu = _gcn_conv(h, Wmu, src, dst, dinv)
    logstd = _gcn_conv(h, Wlogstd, src, dst, dinv)
    # reparameterize in eval mode: z = mu
    z = mu
    # DotProductGraphDecoder (dropout=0.0): full adjacency logits
    adj_recon_logits = z @ z.T
    # MaskedLinearExprDecoder with nb recon loss: masked linear + softmax (dec_mean_gamma)
    expr_out = jax.nn.softmax(z @ (Wdec * mask).T + bdec, axis=-1)
    return (adj_recon_logits, expr_out, mu, logstd)

if __name__ == "__main__":
    import jax
    _d = setup_inputs()
    print(jax.jit(kernel)(*tuple(_d.values())))

</pallas_src>

<mosaic_0001>
#map = affine_map<(d0, d1) -> (0)>
#map1 = affine_map<(d0, d1) -> (0, 0)>
#map2 = affine_map<(d0, d1) -> (0, 0, 0)>
module attributes {stable_mosaic.version = 14 : i64} {
  func.func @k(%arg0: i32, %arg1: i32, %arg2: memref<327680xi32, #tpu.memory_space<hbm>>, %arg3: memref<128x128xf32, #tpu.memory_space<hbm>>, %arg4: memref<10112x128xf32, #tpu.memory_space<hbm>>, %arg5: memref<2x10112x128xf32, #tpu.memory_space<hbm>>, %arg6: memref<128xi32, #tpu.memory_space<vmem>>, %arg7: memref<128xi32, #tpu.memory_space<vmem>>, %arg8: memref<128xi32, #tpu.memory_space<vmem>>, %arg9: memref<128xi32, #tpu.memory_space<vmem>>, %arg10: memref<128xi32, #tpu.memory_space<vmem>>, %arg11: memref<128xi32, #tpu.memory_space<vmem>>, %arg12: memref<128xi32, #tpu.memory_space<vmem>>, %arg13: memref<128xi32, #tpu.memory_space<vmem>>, %arg14: memref<128x128xf32, #tpu.memory_space<vmem>>, %arg15: memref<10112x128xf32, #tpu.memory_space<vmem_shared>>, %arg16: memref<!tpu.dma_semaphore, #tpu.memory_space<semaphore_mem>>, %arg17: memref<!tpu.dma_semaphore, #tpu.memory_space<semaphore_mem>>) attributes {dimension_semantics = [#tpu.dimension_semantics<core_parallel>, #tpu.dimension_semantics<subcore_parallel>], iteration_bounds = array<i64: 2, 16>, scalar_prefetch = 0 : i64, scratch_operands = 12 : i64, tpu.core_type = #tpu.core_type<sc_vector_subcore>, window_params = [{transform_indices = #map}, {transform_indices = #map1}, {transform_indices = #map1}, {transform_indices = #map2}]} {
    %mul3A = arith.constant 2 : i32
    %mul3A_0 = arith.muli %arg1, %mul3A : i32
    %add3A = arith.addi %mul3A_0, %arg0 : i32
    %mul3A_1 = arith.constant 632 : i32
    %mul3A_2 = arith.muli %arg1, %mul3A_1 : i32
    "tpu.region"() ({
      %run_scoped3A = tpu.sem_alloc : memref<!tpu.dma_semaphore, #tpu.memory_space<semaphore_mem>>
      %dma_start3A = arith.constant 0 : i32
      %dma_start3A_11 = tpu.memref_slice %arg15[%mul3A_2, %dma_start3A] : memref<10112x128xf32, #tpu.memory_space<vmem_shared>> -> memref<632x128xf32, #tpu.memory_space<vmem_shared>>
      %dma_start3A_12 = arith.constant 0 : i32
      %dma_start3A_13 = tpu.memref_slice %arg4[%mul3A_2, %dma_start3A_12] : memref<10112x128xf32, #tpu.memory_space<hbm>> -> memref<632x128xf32, #tpu.memory_space<hbm>>
      tpu.enqueue_dma source(%dma_start3A_13 : memref<632x128xf32, #tpu.memory_space<hbm>>) target(%dma_start3A_11 : memref<632x128xf32, #tpu.memory_space<vmem_shared>>) target_semaphore(%run_scoped3A : memref<!tpu.dma_semaphore, #tpu.memory_space<semaphore_mem>>)
      %dma_wait3A = arith.constant 0 : i32
      %dma_wait3A_14 = tpu.memref_slice %arg15[%mul3A_2, %dma_wait3A] : memref<10112x128xf32, #tpu.memory_space<vmem_shared>> -> memref<632x128xf32, #tpu.memory_space<vmem_shared>>
      %dma_wait3A_15 = arith.constant 0 : i32
      %dma_wait3A_16 = tpu.memref_slice %arg4[%mul3A_2, %dma_wait3A_15] : memref<10112x128xf32, #tpu.memory_space<hbm>> -> memref<632x128xf32, #tpu.memory_space<hbm>>
      tpu.wait_dma2 semaphore(%run_scoped3A : memref<!tpu.dma_semaphore, #tpu.memory_space<semaphore_mem>>) src(%dma_wait3A_16 : memref<632x128xf32, #tpu.memory_space<hbm>>) dst(%dma_wait3A_14 : memref<632x128xf32, #tpu.memory_space<vmem_shared>>)
      tpu.yield
    }) : () -> ()
    "tpu.region"() ({
      %run_scoped3A = tpu.sem_alloc : memref<!tpu.dma_semaphore, #tpu.memory_space<semaphore_mem>>
      tpu.enqueue_dma source(%arg3 : memref<128x128xf32, #tpu.memory_space<hbm>>) target(%arg14 : memref<128x128xf32, #tpu.memory_space<vmem>>) target_semaphore(%run_scoped3A : memref<!tpu.dma_semaphore, #tpu.memory_space<semaphore_mem>>)
      tpu.wait_dma2 semaphore(%run_scoped3A : memref<!tpu.dma_semaphore, #tpu.memory_space<semaphore_mem>>) src(%arg3 : memref<128x128xf32, #tpu.memory_space<hbm>>) dst(%arg14 : memref<128x128xf32, #tpu.memory_space<vmem>>)
      tpu.yield
    }) : () -> ()
    %barrier3A = arith.constant 0 : index
    tpu.barrier barrier_id(%barrier3A)
    %mul3A_3 = arith.constant 80 : i32
    %mul3A_4 = arith.muli %add3A, %mul3A_3 : i32
    %scan3A = arith.constant 0 : i32
    %scan3A_5 = arith.constant 0 : i32
    %scan3A_6 = arith.constant 10 : i32
    %scan3A_7 = arith.addi %scan3A_5, %scan3A_6 : i32
    %scan3A_8 = arith.constant 1 : i32
    scf.for %scan3A_11 = %scan3A_5 to %scan3A_7 step %scan3A_8  : i32 {
      %mul3A_12 = arith.constant 8 : i32
      %mul3A_13 = arith.muli %scan3A_11, %mul3A_12 : i32
      %add3A_14 = arith.addi %mul3A_4, %mul3A_13 : i32
      %mul3A_15 = arith.constant 128 : i32
      %mul3A_16 = arith.muli %add3A_14, %mul3A_15 : i32
      %add3A_17 = arith.constant 0 : i32
      %add3A_18 = arith.addi %mul3A_16, %add3A_17 : i32
      %dma_start3A = tpu.memref_slice %arg2[%add3A_18] : memref<327680xi32, #tpu.memory_space<hbm>> -> memref<128xi32, #tpu.memory_space<hbm>>
      %dma_start3A_19 = tpu.memref_slice %arg2[%add3A_18] : memref<327680xi32, #tpu.memory_space<hbm>> -> memref<128xi32, #tpu.memory_space<hbm>>
      tpu.enqueue_dma source(%dma_start3A_19 : memref<128xi32, #tpu.memory_space<hbm>>) target(%arg6 : memref<128xi32, #tpu.memory_space<vmem>>) target_semaphore(%arg16 : memref<!tpu.dma_semaphore, #tpu.memory_space<semaphore_mem>>)
      %add3A_20 = arith.constant 128 : i32
      %add3A_21 = arith.addi %mul3A_16, %add3A_20 : i32
      %dma_start3A_22 = tpu.memref_slice %arg2[%add3A_21] : memref<327680xi32, #tpu.memory_space<hbm>> -> memref<128xi32, #tpu.memory_space<hbm>>
      %dma_start3A_23 = tpu.memref_slice %arg2[%add3A_21] : memref<327680xi32, #tpu.memory_space<hbm>> -> memref<128xi32, #tpu.memory_space<hbm>>
      tpu.enqueue_dma source(%dma_start3A_23 : memref<128xi32, #tpu.memory_space<hbm>>) target(%arg7 : memref<128xi32, #tpu.memory_space<vmem>>) target_semaphore(%arg16 : memref<!tpu.dma_semaphore, #tpu.memory_space<semaphore_mem>>)
      %add3A_24 = arith.constant 256 : i32
      %add3A_25 = arith.addi %mul3A_16, %add3A_24 : i32
      %dma_start3A_26 = tpu.memref_slice %arg2[%add3A_25] : memref<327680xi32, #tpu.memory_space<hbm>> -> memref<128xi32, #tpu.memory_space<hbm>>
      %dma_start3A_27 = tpu.memref_slice %arg2[%add3A_25] : memref<327680xi32, #tpu.memory_space<hbm>> -> memref<128xi32, #tpu.memory_space<hbm>>
      tpu.enqueue_dma source(%dma_start3A_27 : memref<128xi32, #tpu.memory_space<hbm>>) target(%arg8 : memref<128xi32, #tpu.memory_space<vmem>>) target_semaphore(%arg16 : memref<!tpu.dma_semaphore, #tpu.memory_space<semaphore_mem>>)
      %add3A_28 = arith.constant 384 : i32
      %add3A_29 = arith.addi %mul3A_16, %add3A_28 : i32
      %dma_start3A_30 = tpu.memref_slice %arg2[%add3A_29] : memref<327680xi32, #tpu.memory_space<hbm>> -> memref<128xi32, #tpu.memory_space<hbm>>
      %dma_start3A_31 = tpu.memref_slice %arg2[%add3A_29] : memref<327680xi32, #tpu.memory_space<hbm>> -> memref<128xi32, #tpu.memory_space<hbm>>
      tpu.enqueue_dma source(%dma_start3A_31 : memref<128xi32, #tpu.memory_space<hbm>>) target(%arg9 : memref<128xi32, #tpu.memory_space<vmem>>) target_semaphore(%arg16 : memref<!tpu.dma_semaphore, #tpu.memory_space<semaphore_mem>>)
      %add3A_32 = arith.constant 512 : i32
      %add3A_33 = arith.addi %mul3A_16, %add3A_32 : i32
      %dma_start3A_34 = tpu.memref_slice %arg2[%add3A_33] : memref<327680xi32, #tpu.memory_space<hbm>> -> memref<128xi32, #tpu.memory_space<hbm>>
      %dma_start3A_35 = tpu.memref_slice %arg2[%add3A_33] : memref<327680xi32, #tpu.memory_space<hbm>> -> memref<128xi32, #tpu.memory_space<hbm>>
      tpu.enqueue_dma source(%dma_start3A_35 : memref<128xi32, #tpu.memory_space<hbm>>) target(%arg10 : memref<128xi32, #tpu.memory_space<vmem>>) target_semaphore(%arg16 : memref<!tpu.dma_semaphore, #tpu.memory_space<semaphore_mem>>)
      %add3A_36 = arith.constant 640 : i32
      %add3A_37 = arith.addi %mul3A_16, %add3A_36 : i32
      %dma_start3A_38 = tpu.memref_slice %arg2[%add3A_37] : memref<327680xi32, #tpu.memory_space<hbm>> -> memref<128xi32, #tpu.memory_space<hbm>>
      %dma_start3A_39 = tpu.memref_slice %arg2[%add3A_37] : memref<327680xi32, #tpu.memory_space<hbm>> -> memref<128xi32, #tpu.memory_space<hbm>>
      tpu.enqueue_dma source(%dma_start3A_39 : memref<128xi32, #tpu.memory_space<hbm>>) target(%arg11 : memref<128xi32, #tpu.memory_space<vmem>>) target_semaphore(%arg16 : memref<!tpu.dma_semaphore, #tpu.memory_space<semaphore_mem>>)
      %add3A_40 = arith.constant 768 : i32
      %add3A_41 = arith.addi %mul3A_16, %add3A_40 : i32
      %dma_start3A_42 = tpu.memref_slice %arg2[%add3A_41] : memref<327680xi32, #tpu.memory_space<hbm>> -> memref<128xi32, #tpu.memory_space<hbm>>
      %dma_start3A_43 = tpu.memref_slice %arg2[%add3A_41] : memref<327680xi32, #tpu.memory_space<hbm>> -> memref<128xi32, #tpu.memory_space<hbm>>
      tpu.enqueue_dma source(%dma_start3A_43 : memref<128xi32, #tpu.memory_space<hbm>>) target(%arg12 : memref<128xi32, #tpu.memory_space<vmem>>) target_semaphore(%arg16 : memref<!tpu.dma_semaphore, #tpu.memory_space<semaphore_mem>>)
      %add3A_44 = arith.constant 896 : i32
      %add3A_45 = arith.addi %mul3A_16, %add3A_44 : i32
      %dma_start3A_46 = tpu.memref_slice %arg2[%add3A_45] : memref<327680xi32, #tpu.memory_space<hbm>> -> memref<128xi32, #tpu.memory_space<hbm>>
      %dma_start3A_47 = tpu.memref_slice %arg2[%add3A_45] : memref<327680xi32, #tpu.memory_space<hbm>> -> memref<128xi32, #tpu.memory_space<hbm>>
      tpu.enqueue_dma source(%dma_start3A_47 : memref<128xi32, #tpu.memory_space<hbm>>) target(%arg13 : memref<128xi32, #tpu.memory_space<vmem>>) target_semaphore(%arg16 : memref<!tpu.dma_semaphore, #tpu.memory_space<semaphore_mem>>)
      %dma_wait3A = tpu.memref_slice %arg2[%add3A_18] : memref<327680xi32, #tpu.memory_space<hbm>> -> memref<128xi32, #tpu.memory_space<hbm>>
      %dma_wait3A_48 = tpu.memref_slice %arg2[%add3A_18] : memref<327680xi32, #tpu.memory_space<hbm>> -> memref<128xi32, #tpu.memory_space<hbm>>
      tpu.wait_dma2 semaphore(%arg16 : memref<!tpu.dma_semaphore, #tpu.memory_space<semaphore_mem>>) src(%dma_wait3A_48 : memref<128xi32, #tpu.memory_space<hbm>>) dst(%arg6 : memref<128xi32, #tpu.memory_space<vmem>>)
      %dma_wait3A_49 = tpu.memref_slice %arg2[%add3A_21] : memref<327680xi32, #tpu.memory_space<hbm>> -> memref<128xi32, #tpu.memory_space<hbm>>
      %dma_wait3A_50 = tpu.memref_slice %arg2[%add3A_21] : memref<327680xi32, #tpu.memory_space<hbm>> -> memref<128xi32, #tpu.memory_space<hbm>>
      tpu.wait_dma2 semaphore(%arg16 : memref<!tpu.dma_semaphore, #tpu.memory_space<semaphore_mem>>) src(%dma_wait3A_50 : memref<128xi32, #tpu.memory_space<hbm>>) dst(%arg7 : memref<128xi32, #tpu.memory_space<vmem>>)
      %dma_wait3A_51 = tpu.memref_slice %arg2[%add3A_25] : memref<327680xi32, #tpu.memory_space<hbm>> -> memref<128xi32, #tpu.memory_space<hbm>>
      %dma_wait3A_52 = tpu.memref_slice %arg2[%add3A_25] : memref<327680xi32, #tpu.memory_space<hbm>> -> memref<128xi32, #tpu.memory_space<hbm>>
      tpu.wait_dma2 semaphore(%arg16 : memref<!tpu.dma_semaphore, #tpu.memory_space<semaphore_mem>>) src(%dma_wait3A_52 : memref<128xi32, #tpu.memory_space<hbm>>) dst(%arg8 : memref<128xi32, #tpu.memory_space<vmem>>)
      %dma_wait3A_53 = tpu.memref_slice %arg2[%add3A_29] : memref<327680xi32, #tpu.memory_space<hbm>> -> memref<128xi32, #tpu.memory_space<hbm>>
      %dma_wait3A_54 = tpu.memref_slice %arg2[%add3A_29] : memref<327680xi32, #tpu.memory_space<hbm>> -> memref<128xi32, #tpu.memory_space<hbm>>
      tpu.wait_dma2 semaphore(%arg16 : memref<!tpu.dma_semaphore, #tpu.memory_space<semaphore_mem>>) src(%dma_wait3A_54 : memref<128xi32, #tpu.memory_space<hbm>>) dst(%arg9 : memref<128xi32, #tpu.memory_space<vmem>>)
      %dma_wait3A_55 = tpu.memref_slice %arg2[%add3A_33] : memref<327680xi32, #tpu.memory_space<hbm>> -> memref<128xi32, #tpu.memory_space<hbm>>
      %dma_wait3A_56 = tpu.memref_slice %arg2[%add3A_33] : memref<327680xi32, #tpu.memory_space<hbm>> -> memref<128xi32, #tpu.memory_space<hbm>>
      tpu.wait_dma2 semaphore(%arg16 : memref<!tpu.dma_semaphore, #tpu.memory_space<semaphore_mem>>) src(%dma_wait3A_56 : memref<128xi32, #tpu.memory_space<hbm>>) dst(%arg10 : memref<128xi32, #tpu.memory_space<vmem>>)
      %dma_wait3A_57 = tpu.memref_slice %arg2[%add3A_37] : memref<327680xi32, #tpu.memory_space<hbm>> -> memref<128xi32, #tpu.memory_space<hbm>>
      %dma_wait3A_58 = tpu.memref_slice %arg2[%add3A_37] : memref<327680xi32, #tpu.memory_space<hbm>> -> memref<128xi32, #tpu.memory_space<hbm>>
      tpu.wait_dma2 semaphore(%arg16 : memref<!tpu.dma_semaphore, #tpu.memory_space<semaphore_mem>>) src(%dma_wait3A_58 : memref<128xi32, #tpu.memory_space<hbm>>) dst(%arg11 : memref<128xi32, #tpu.memory_space<vmem>>)
      %dma_wait3A_59 = tpu.memref_slice %arg2[%add3A_41] : memref<327680xi32, #tpu.memory_space<hbm>> -> memref<128xi32, #tpu.memory_space<hbm>>
      %dma_wait3A_60 = tpu.memref_slice %arg2[%add3A_41] : memref<327680xi32, #tpu.memory_space<hbm>> -> memref<128xi32, #tpu.memory_space<hbm>>
      tpu.wait_dma2 semaphore(%arg16 : memref<!tpu.dma_semaphore, #tpu.memory_space<semaphore_mem>>) src(%dma_wait3A_60 : memref<128xi32, #tpu.memory_space<hbm>>) dst(%arg12 : memref<128xi32, #tpu.memory_space<vmem>>)
      %dma_wait3A_61 = tpu.memref_slice %arg2[%add3A_45] : memref<327680xi32, #tpu.memory_space<hbm>> -> memref<128xi32, #tpu.memory_space<hbm>>
      %dma_wait3A_62 = tpu.memref_slice %arg2[%add3A_45] : memref<327680xi32, #tpu.memory_space<hbm>> -> memref<128xi32, #tpu.memory_space<hbm>>
      tpu.wait_dma2 semaphore(%arg16 : memref<!tpu.dma_semaphore, #tpu.memory_space<semaphore_mem>>) src(%dma_wait3A_62 : memref<128xi32, #tpu.memory_space<hbm>>) dst(%arg13 : memref<128xi32, #tpu.memory_space<vmem>>)
      %dma_start3A_63 = arith.constant 0 : i32
      %dma_start3A_64 = arith.constant 0 : i32
      %dma_start3A_65 = tpu.memref_slice %arg15[%dma_start3A_63, %dma_start3A_64] : memref<10112x128xf32, #tpu.memory_space<vmem_shared>> -> memref<10112x128xf32, #tpu.memory_space<vmem_shared>>
      tpu.enqueue_indirect_dma source(%arg14 : memref<128x128xf32, #tpu.memory_space<vmem>>) target(%dma_start3A_65 : memref<10112x128xf32, #tpu.memory_space<vmem_shared>>) offsets(%arg6 : memref<128xi32, #tpu.memory_space<vmem>>) semaphore(%arg17 : memref<!tpu.dma_semaphore, #tpu.memory_space<semaphore_mem>>) {add = true}
      %dma_start3A_66 = arith.constant 0 : i32
      %dma_start3A_67 = arith.constant 0 : i32
      %dma_start3A_68 = tpu.memref_slice %arg15[%dma_start3A_66, %dma_start3A_67] : memref<10112x128xf32, #tpu.memory_space<vmem_shared>> -> memref<10112x128xf32, #tpu.memory_space<vmem_shared>>
      tpu.enqueue_indirect_dma source(%arg14 : memref<128x128xf32, #tpu.memory_space<vmem>>) target(%dma_start3A_68 : memref<10112x128xf32, #tpu.memory_space<vmem_shared>>) offsets(%arg7 : memref<128xi32, #tpu.memory_space<vmem>>) semaphore(%arg17 : memref<!tpu.dma_semaphore, #tpu.memory_space<semaphore_mem>>) {add = true}
      %dma_start3A_69 = arith.constant 0 : i32
      %dma_start3A_70 = arith.constant 0 : i32
      %dma_start3A_71 = tpu.memref_slice %arg15[%dma_start3A_69, %dma_start3A_70] : memref<10112x128xf32, #tpu.memory_space<vmem_shared>> -> memref<10112x128xf32, #tpu.memory_space<vmem_shared>>
      tpu.enqueue_indirect_dma source(%arg14 : memref<128x128xf32, #tpu.memory_space<vmem>>) target(%dma_start3A_71 : memref<10112x128xf32, #tpu.memory_space<vmem_shared>>) offsets(%arg8 : memref<128xi32, #tpu.memory_space<vmem>>) semaphore(%arg17 : memref<!tpu.dma_semaphore, #tpu.memory_space<semaphore_mem>>) {add = true}
      %dma_start3A_72 = arith.constant 0 : i32
      %dma_start3A_73 = arith.constant 0 : i32
      %dma_start3A_74 = tpu.memref_slice %arg15[%dma_start3A_72, %dma_start3A_73] : memref<10112x128xf32, #tpu.memory_space<vmem_shared>> -> memref<10112x128xf32, #tpu.memory_space<vmem_shared>>
      tpu.enqueue_indirect_dma source(%arg14 : memref<128x128xf32, #tpu.memory_space<vmem>>) target(%dma_start3A_74 : memref<10112x128xf32, #tpu.memory_space<vmem_shared>>) offsets(%arg9 : memref<128xi32, #tpu.memory_space<vmem>>) semaphore(%arg17 : memref<!tpu.dma_semaphore, #tpu.memory_space<semaphore_mem>>) {add = true}
      %dma_start3A_75 = arith.constant 0 : i32
      %dma_start3A_76 = arith.constant 0 : i32
      %dma_start3A_77 = tpu.memref_slice %arg15[%dma_start3A_75, %dma_start3A_76] : memref<10112x128xf32, #tpu.memory_space<vmem_shared>> -> memref<10112x128xf32, #tpu.memory_space<vmem_shared>>
      tpu.enqueue_indirect_dma source(%arg14 : memref<128x128xf32, #tpu.memory_space<vmem>>) target(%dma_start3A_77 : memref<10112x128xf32, #tpu.memory_space<vmem_shared>>) offsets(%arg10 : memref<128xi32, #tpu.memory_space<vmem>>) semaphore(%arg17 : memref<!tpu.dma_semaphore, #tpu.memory_space<semaphore_mem>>) {add = true}
      %dma_start3A_78 = arith.constant 0 : i32
      %dma_start3A_79 = arith.constant 0 : i32
      %dma_start3A_80 = tpu.memref_slice %arg15[%dma_start3A_78, %dma_start3A_79] : memref<10112x128xf32, #tpu.memory_space<vmem_shared>> -> memref<10112x128xf32, #tpu.memory_space<vmem_shared>>
      tpu.enqueue_indirect_dma source(%arg14 : memref<128x128xf32, #tpu.memory_space<vmem>>) target(%dma_start3A_80 : memref<10112x128xf32, #tpu.memory_space<vmem_shared>>) offsets(%arg11 : memref<128xi32, #tpu.memory_space<vmem>>) semaphore(%arg17 : memref<!tpu.dma_semaphore, #tpu.memory_space<semaphore_mem>>) {add = true}
      %dma_start3A_81 = arith.constant 0 : i32
      %dma_start3A_82 = arith.constant 0 : i32
      %dma_start3A_83 = tpu.memref_slice %arg15[%dma_start3A_81, %dma_start3A_82] : memref<10112x128xf32, #tpu.memory_space<vmem_shared>> -> memref<10112x128xf32, #tpu.memory_space<vmem_shared>>
      tpu.enqueue_indirect_dma source(%arg14 : memref<128x128xf32, #tpu.memory_space<vmem>>) target(%dma_start3A_83 : memref<10112x128xf32, #tpu.memory_space<vmem_shared>>) offsets(%arg12 : memref<128xi32, #tpu.memory_space<vmem>>) semaphore(%arg17 : memref<!tpu.dma_semaphore, #tpu.memory_space<semaphore_mem>>) {add = true}
      %dma_start3A_84 = arith.constant 0 : i32
      %dma_start3A_85 = arith.constant 0 : i32
      %dma_start3A_86 = tpu.memref_slice %arg15[%dma_start3A_84, %dma_start3A_85] : memref<10112x128xf32, #tpu.memory_space<vmem_shared>> -> memref<10112x128xf32, #tpu.memory_space<vmem_shared>>
      tpu.enqueue_indirect_dma source(%arg14 : memref<128x128xf32, #tpu.memory_space<vmem>>) target(%dma_start3A_86 : memref<10112x128xf32, #tpu.memory_space<vmem_shared>>) offsets(%arg13 : memref<128xi32, #tpu.memory_space<vmem>>) semaphore(%arg17 : memref<!tpu.dma_semaphore, #tpu.memory_space<semaphore_mem>>) {add = true}
      %dma_wait3A_87 = arith.constant 0 : i32
      %dma_wait3A_88 = arith.constant 0 : i32
      %dma_wait3A_89 = tpu.memref_slice %arg15[%dma_wait3A_87, %dma_wait3A_88] : memref<10112x128xf32, #tpu.memory_space<vmem_shared>> -> memref<10112x128xf32, #tpu.memory_space<vmem_shared>>
      tpu.wait_indirect_dma semaphore(%arg17 : memref<!tpu.dma_semaphore, #tpu.memory_space<semaphore_mem>>) src(%arg14 : memref<128x128xf32, #tpu.memory_space<vmem>>) dst(%dma_wait3A_89 : memref<10112x128xf32, #tpu.memory_space<vmem_shared>>)
      %dma_wait3A_90 = arith.constant 0 : i32
      %dma_wait3A_91 = arith.constant 0 : i32
      %dma_wait3A_92 = tpu.memref_slice %arg15[%dma_wait3A_90, %dma_wait3A_91] : memref<10112x128xf32, #tpu.memory_space<vmem_shared>> -> memref<10112x128xf32, #tpu.memory_space<vmem_shared>>
      tpu.wait_indirect_dma semaphore(%arg17 : memref<!tpu.dma_semaphore, #tpu.memory_space<semaphore_mem>>) src(%arg14 : memref<128x128xf32, #tpu.memory_space<vmem>>) dst(%dma_wait3A_92 : memref<10112x128xf32, #tpu.memory_space<vmem_shared>>)
      %dma_wait3A_93 = arith.constant 0 : i32
      %dma_wait3A_94 = arith.constant 0 : i32
      %dma_wait3A_95 = tpu.memref_slice %arg15[%dma_wait3A_93, %dma_wait3A_94] : memref<10112x128xf32, #tpu.memory_space<vmem_shared>> -> memref<10112x128xf32, #tpu.memory_space<vmem_shared>>
      tpu.wait_indirect_dma semaphore(%arg17 : memref<!tpu.dma_semaphore, #tpu.memory_space<semaphore_mem>>) src(%arg14 : memref<128x128xf32, #tpu.memory_space<vmem>>) dst(%dma_wait3A_95 : memref<10112x128xf32, #tpu.memory_space<vmem_shared>>)
      %dma_wait3A_96 = arith.constant 0 : i32
      %dma_wait3A_97 = arith.constant 0 : i32
      %dma_wait3A_98 = tpu.memref_slice %arg15[%dma_wait3A_96, %dma_wait3A_97] : memref<10112x128xf32, #tpu.memory_space<vmem_shared>> -> memref<10112x128xf32, #tpu.memory_space<vmem_shared>>
      tpu.wait_indirect_dma semaphore(%arg17 : memref<!tpu.dma_semaphore, #tpu.memory_space<semaphore_mem>>) src(%arg14 : memref<128x128xf32, #tpu.memory_space<vmem>>) dst(%dma_wait3A_98 : memref<10112x128xf32, #tpu.memory_space<vmem_shared>>)
      %dma_wait3A_99 = arith.constant 0 : i32
      %dma_wait3A_100 = arith.constant 0 : i32
      %dma_wait3A_101 = tpu.memref_slice %arg15[%dma_wait3A_99, %dma_wait3A_100] : memref<10112x128xf32, #tpu.memory_space<vmem_shared>> -> memref<10112x128xf32, #tpu.memory_space<vmem_shared>>
      tpu.wait_indirect_dma semaphore(%arg17 : memref<!tpu.dma_semaphore, #tpu.memory_space<semaphore_mem>>) src(%arg14 : memref<128x128xf32, #tpu.memory_space<vmem>>) dst(%dma_wait3A_101 : memref<10112x128xf32, #tpu.memory_space<vmem_shared>>)
      %dma_wait3A_102 = arith.constant 0 : i32
      %dma_wait3A_103 = arith.constant 0 : i32
      %dma_wait3A_104 = tpu.memref_slice %arg15[%dma_wait3A_102, %dma_wait3A_103] : memref<10112x128xf32, #tpu.memory_space<vmem_shared>> -> memref<10112x128xf32, #tpu.memory_space<vmem_shared>>
      tpu.wait_indirect_dma semaphore(%arg17 : memref<!tpu.dma_semaphore, #tpu.memory_space<semaphore_mem>>) src(%arg14 : memref<128x128xf32, #tpu.memory_space<vmem>>) dst(%dma_wait3A_104 : memref<10112x128xf32, #tpu.memory_space<vmem_shared>>)
      %dma_wait3A_105 = arith.constant 0 : i32
      %dma_wait3A_106 = arith.constant 0 : i32
      %dma_wait3A_107 = tpu.memref_slice %arg15[%dma_wait3A_105, %dma_wait3A_106] : memref<10112x128xf32, #tpu.memory_space<vmem_shared>> -> memref<10112x128xf32, #tpu.memory_space<vmem_shared>>
      tpu.wait_indirect_dma semaphore(%arg17 : memref<!tpu.dma_semaphore, #tpu.memory_space<semaphore_mem>>) src(%arg14 : memref<128x128xf32, #tpu.memory_space<vmem>>) dst(%dma_wait3A_107 : memref<10112x128xf32, #tpu.memory_space<vmem_shared>>)
      %dma_wait3A_108 = arith.constant 0 : i32
      %dma_wait3A_109 = arith.constant 0 : i32
      %dma_wait3A_110 = tpu.memref_slice %arg15[%dma_wait3A_108, %dma_wait3A_109] : memref<10112x128xf32, #tpu.memory_space<vmem_shared>> -> memref<10112x128xf32, #tpu.memory_space<vmem_shared>>
      tpu.wait_indirect_dma semaphore(%arg17 : memref<!tpu.dma_semaphore, #tpu.memory_space<semaphore_mem>>) src(%arg14 : memref<128x128xf32, #tpu.memory_space<vmem>>) dst(%dma_wait3A_110 : memref<10112x128xf32, #tpu.memory_space<vmem_shared>>)
    }
    %scan3A_9 = arith.constant 10 : i32
    %barrier3A_10 = arith.constant 0 : index
    tpu.barrier barrier_id(%barrier3A_10)
    "tpu.region"() ({
      %run_scoped3A = tpu.sem_alloc : memref<!tpu.dma_semaphore, #tpu.memory_space<semaphore_mem>>
      %dma_start3A = arith.constant 0 : i32
      %dma_start3A_11 = tpu.memref_slice %arg5[%arg0, %mul3A_2, %dma_start3A] : memref<2x10112x128xf32, #tpu.memory_space<hbm>> -> memref<1x632x128xf32, #tpu.memory_space<hbm>>
      %dma_start3A_12 = tpu.memref_squeeze %dma_start3A_11 : memref<1x632x128xf32, #tpu.memory_space<hbm>> -> memref<632x128xf32, #tpu.memory_space<hbm>>
      %dma_start3A_13 = arith.constant 0 : i32
      %dma_start3A_14 = tpu.memref_slice %arg15[%mul3A_2, %dma_start3A_13] : memref<10112x128xf32, #tpu.memory_space<vmem_shared>> -> memref<632x128xf32, #tpu.memory_space<vmem_shared>>
      tpu.enqueue_dma source(%dma_start3A_14 : memref<632x128xf32, #tpu.memory_space<vmem_shared>>) target(%dma_start3A_12 : memref<632x128xf32, #tpu.memory_space<hbm>>) target_semaphore(%run_scoped3A : memref<!tpu.dma_semaphore, #tpu.memory_space<semaphore_mem>>)
      %dma_wait3A = arith.constant 0 : i32
      %dma_wait3A_15 = tpu.memref_slice %arg5[%arg0, %mul3A_2, %dma_wait3A] : memref<2x10112x128xf32, #tpu.memory_space<hbm>> -> memref<1x632x128xf32, #tpu.memory_space<hbm>>
      %dma_wait3A_16 = tpu.memref_squeeze %dma_wait3A_15 : memref<1x632x128xf32, #tpu.memory_space<hbm>> -> memref<632x128xf32, #tpu.memory_space<hbm>>
      %dma_wait3A_17 = arith.constant 0 : i32
      %dma_wait3A_18 = tpu.memref_slice %arg15[%mul3A_2, %dma_wait3A_17] : memref<10112x128xf32, #tpu.memory_space<vmem_shared>> -> memref<632x128xf32, #tpu.memory_space<vmem_shared>>
      tpu.wait_dma2 semaphore(%run_scoped3A : memref<!tpu.dma_semaphore, #tpu.memory_space<semaphore_mem>>) src(%dma_wait3A_18 : memref<632x128xf32, #tpu.memory_space<vmem_shared>>) dst(%dma_wait3A_16 : memref<632x128xf32, #tpu.memory_space<hbm>>)
      tpu.yield
    }) : () -> ()
    return
  }
}

#map = affine_map<(d0, d1) -> (0, 0)>
#map1 = affine_map<(d0, d1) -> (0)>
#map2 = affine_map<(d0, d1) -> (0, 0, 0)>
module attributes {stable_mosaic.version = 14 : i64} {
  func.func @k(%arg0: i32, %arg1: i32, %arg2: memref<10112x128xf32, #tpu.memory_space<hbm>>, %arg3: memref<321536xi32, #tpu.memory_space<hbm>>, %arg4: memref<321536xi32, #tpu.memory_space<hbm>>, %arg5: memref<10112x128xf32, #tpu.memory_space<hbm>>, %arg6: memref<2x10112x128xf32, #tpu.memory_space<hbm>>, %arg7: memref<128xi32, #tpu.memory_space<vmem>>, %arg8: memref<128xi32, #tpu.memory_space<vmem>>, %arg9: memref<128xi32, #tpu.memory_space<vmem>>, %arg10: memref<128xi32, #tpu.memory_space<vmem>>, %arg11: memref<128x128xf32, #tpu.memory_space<vmem>>, %arg12: memref<128x128xf32, #tpu.memory_space<vmem>>, %arg13: memref<10112x128xf32, #tpu.memory_space<vmem_shared>>, %arg14: memref<!tpu.dma_semaphore, #tpu.memory_space<semaphore_mem>>, %arg15: memref<!tpu.dma_semaphore, #tpu.memory_space<semaphore_mem>>, %arg16: memref<!tpu.dma_semaphore, #tpu.memory_space<semaphore_mem>>, %arg17: memref<!tpu.dma_semaphore, #tpu.memory_space<semaphore_mem>>) attributes {dimension_semantics = [#tpu.dimension_semantics<core_parallel>, #tpu.dimension_semantics<subcore_parallel>], iteration_bounds = array<i64: 2, 16>, scalar_prefetch = 0 : i64, scratch_operands = 11 : i64, tpu.core_type = #tpu.core_type<sc_vector_subcore>, window_params = [{transform_indices = #map}, {transform_indices = #map1}, {transform_indices = #map1}, {transform_indices = #map}, {transform_indices = #map2}]} {
    %mul3A = arith.constant 632 : i32
    %mul3A_0 = arith.muli %arg1, %mul3A : i32
    "tpu.region"() ({
      %run_scoped3A = tpu.sem_alloc : memref<!tpu.dma_semaphore, #tpu.memory_space<semaphore_mem>>
      %dma_start3A = arith.constant 0 : i32
      %dma_start3A_8 = tpu.memref_slice %arg13[%mul3A_0, %dma_start3A] : memref<10112x128xf32, #tpu.memory_space<vmem_shared>> -> memref<632x128xf32, #tpu.memory_space<vmem_shared>>
      %dma_start3A_9 = arith.constant 0 : i32
      %dma_start3A_10 = tpu.memref_slice %arg5[%mul3A_0, %dma_start3A_9] : memref<10112x128xf32, #tpu.memory_space<hbm>> -> memref<632x128xf32, #tpu.memory_space<hbm>>
      tpu.enqueue_dma source(%dma_start3A_10 : memref<632x128xf32, #tpu.memory_space<hbm>>) target(%dma_start3A_8 : memref<632x128xf32, #tpu.memory_space<vmem_shared>>) target_semaphore(%run_scoped3A : memref<!tpu.dma_semaphore, #tpu.memory_space<semaphore_mem>>)
      %dma_wait3A = arith.constant 0 : i32
      %dma_wait3A_11 = tpu.memref_slice %arg13[%mul3A_0, %dma_wait3A] : memref<10112x128xf32, #tpu.memory_space<vmem_shared>> -> memref<632x128xf32, #tpu.memory_space<vmem_shared>>
      %dma_wait3A_12 = arith.constant 0 : i32
      %dma_wait3A_13 = tpu.memref_slice %arg5[%mul3A_0, %dma_wait3A_12] : memref<10112x128xf32, #tpu.memory_space<hbm>> -> memref<632x128xf32, #tpu.memory_space<hbm>>
      tpu.wait_dma2 semaphore(%run_scoped3A : memref<!tpu.dma_semaphore, #tpu.memory_space<semaphore_mem>>) src(%dma_wait3A_13 : memref<632x128xf32, #tpu.memory_space<hbm>>) dst(%dma_wait3A_11 : memref<632x128xf32, #tpu.memory_space<vmem_shared>>)
      tpu.yield
    }) : () -> ()
    %barrier3A = arith.constant 0 : index
    tpu.barrier barrier_id(%barrier3A)
    %eq3A = arith.constant 0 : i32
    %eq3A_1 = arith.cmpi eq, %arg0, %eq3A : i32
    %convert_element_type3A = arith.extui %eq3A_1 : i1 to i32
    %cond3A = arith.constant 0 : i32
    %cond3A_2 = arith.cmpi ne, %convert_element_type3A, %cond3A : i32
    scf.if %cond3A_2 {
      %mul3A_8 = arith.constant 106 : i32
      %mul3A_9 = arith.muli %arg1, %mul3A_8 : i32
      %mul3A_10 = arith.constant 128 : i32
      %mul3A_11 = arith.muli %mul3A_9, %mul3A_10 : i32
      %scan3A = arith.constant 0 : i32
      %scan3A_12 = arith.constant 0 : i32
      %scan3A_13 = arith.constant 53 : i32
      %scan3A_14 = arith.addi %scan3A_12, %scan3A_13 : i32
      %scan3A_15 = arith.constant 1 : i32
      scf.for %scan3A_17 = %scan3A_12 to %scan3A_14 step %scan3A_15  : i32 {
        %mul3A_18 = arith.constant 2 : i32
        %mul3A_19 = arith.muli %scan3A_17, %mul3A_18 : i32
        %mul3A_20 = arith.constant 128 : i32
        %mul3A_21 = arith.muli %mul3A_19, %mul3A_20 : i32
        %add3A = arith.addi %mul3A_11, %mul3A_21 : i32
        %add3A_22 = arith.constant 0 : i32
        %add3A_23 = arith.addi %add3A, %add3A_22 : i32
        %dma_start3A = tpu.memref_slice %arg3[%add3A_23] : memref<321536xi32, #tpu.memory_space<hbm>> -> memref<128xi32, #tpu.memory_space<hbm>>
        %dma_start3A_24 = tpu.memref_slice %arg3[%add3A_23] : memref<321536xi32, #tpu.memory_space<hbm>> -> memref<128xi32, #tpu.memory_space<hbm>>
        tpu.enqueue_dma source(%dma_start3A_24 : memref<128xi32, #tpu.memory_space<hbm>>) target(%arg7 : memref<128xi32, #tpu.memory_space<vmem>>) target_semaphore(%arg16 : memref<!tpu.dma_semaphore, #tpu.memory_space<semaphore_mem>>)
        %add3A_25 = arith.constant 128 : i32
        %add3A_26 = arith.addi %add3A, %add3A_25 : i32
        %dma_start3A_27 = tpu.memref_slice %arg3[%add3A_26] : memref<321536xi32, #tpu.memory_space<hbm>> -> memref<128xi32, #tpu.memory_space<hbm>>
        %dma_start3A_28 = tpu.memref_slice %arg3[%add3A_26] : memref<321536xi32, #tpu.memory_space<hbm>> -> memref<128xi32, #tpu.memory_space<hbm>>
        tpu.enqueue_dma source(%dma_start3A_28 : memref<128xi32, #tpu.memory_space<hbm>>) target(%arg8 : memref<128xi32, #tpu.memory_space<vmem>>) target_semaphore(%arg16 : memref<!tpu.dma_semaphore, #tpu.memory_space<semaphore_mem>>)
        %add3A_29 = arith.constant 0 : i32
        %add3A_30 = arith.addi %add3A, %add3A_29 : i32
        %dma_start3A_31 = tpu.memref_slice %arg4[%add3A_30] : memref<321536xi32, #tpu.memory_space<hbm>> -> memref<128xi32, #tpu.memory_space<hbm>>
        %dma_start3A_32 = tpu.memref_slice %arg4[%add3A_30] : memref<321536xi32, #tpu.memory_space<hbm>> -> memref<128xi32, #tpu.memory_space<hbm>>
        tpu.enqueue_dma source(%dma_start3A_32 : memref<128xi32, #tpu.memory_space<hbm>>) target(%arg9 : memref<128xi32, #tpu.memory_space<vmem>>) target_semaphore(%arg16 : memref<!tpu.dma_semaphore, #tpu.memory_space<semaphore_mem>>)
        %add3A_33 = arith.constant 128 : i32
        %add3A_34 = arith.addi %add3A, %add3A_33 : i32
        %dma_start3A_35 = tpu.memref_slice %arg4[%add3A_34] : memref<321536xi32, #tpu.memory_space<hbm>> -> memref<128xi32, #tpu.memory_space<hbm>>
        %dma_start3A_36 = tpu.memref_slice %arg4[%add3A_34] : memref<321536xi32, #tpu.memory_space<hbm>> -> memref<128xi32, #tpu.memory_space<hbm>>
        tpu.enqueue_dma source(%dma_start3A_36 : memref<128xi32, #tpu.memory_space<hbm>>) target(%arg10 : memref<128xi32, #tpu.memory_space<vmem>>) target_semaphore(%arg16 : memref<!tpu.dma_semaphore, #tpu.memory_space<semaphore_mem>>)
        %dma_wait3A = tpu.memref_slice %arg3[%add3A_23] : memref<321536xi32, #tpu.memory_space<hbm>> -> memref<128xi32, #tpu.memory_space<hbm>>
        %dma_wait3A_37 = tpu.memref_slice %arg3[%add3A_23] : memref<321536xi32, #tpu.memory_space<hbm>> -> memref<128xi32, #tpu.memory_space<hbm>>
        tpu.wait_dma2 semaphore(%arg16 : memref<!tpu.dma_semaphore, #tpu.memory_space<semaphore_mem>>) src(%dma_wait3A_37 : memref<128xi32, #tpu.memory_space<hbm>>) dst(%arg7 : memref<128xi32, #tpu.memory_space<vmem>>)
        %dma_wait3A_38 = tpu.memref_slice %arg3[%add3A_26] : memref<321536xi32, #tpu.memory_space<hbm>> -> memref<128xi32, #tpu.memory_space<hbm>>
        %dma_wait3A_39 = tpu.memref_slice %arg3[%add3A_26] : memref<321536xi32, #tpu.memory_space<hbm>> -> memref<128xi32, #tpu.memory_space<hbm>>
        tpu.wait_dma2 semaphore(%arg16 : memref<!tpu.dma_semaphore, #tpu.memory_space<semaphore_mem>>) src(%dma_wait3A_39 : memref<128xi32, #tpu.memory_space<hbm>>) dst(%arg8 : memref<128xi32, #tpu.memory_space<vmem>>)
        %dma_wait3A_40 = tpu.memref_slice %arg4[%add3A_30] : memref<321536xi32, #tpu.memory_space<hbm>> -> memref<128xi32, #tpu.memory_space<hbm>>
        %dma_wait3A_41 = tpu.memref_slice %arg4[%add3A_30] : memref<321536xi32, #tpu.memory_space<hbm>> -> memref<128xi32, #tpu.memory_space<hbm>>
        tpu.wait_dma2 semaphore(%arg16 : memref<!tpu.dma_semaphore, #tpu.memory_space<semaphore_mem>>) src(%dma_wait3A_41 : memref<128xi32, #tpu.memory_space<hbm>>) dst(%arg9 : memref<128xi32, #tpu.memory_space<vmem>>)
        %dma_wait3A_42 = tpu.memref_slice %arg4[%add3A_34] : memref<321536xi32, #tpu.memory_space<hbm>> -> memref<128xi32, #tpu.memory_space<hbm>>
        %dma_wait3A_43 = tpu.memref_slice %arg4[%add3A_34] : memref<321536xi32, #tpu.memory_space<hbm>> -> memref<128xi32, #tpu.memory_space<hbm>>
        tpu.wait_dma2 semaphore(%arg16 : memref<!tpu.dma_semaphore, #tpu.memory_space<semaphore_mem>>) src(%dma_wait3A_43 : memref<128xi32, #tpu.memory_space<hbm>>) dst(%arg10 : memref<128xi32, #tpu.memory_space<vmem>>)
        %dma_start3A_44 = arith.constant 0 : i32
        %dma_start3A_45 = arith.constant 0 : i32
        %dma_start3A_46 = tpu.memref_slice %arg2[%dma_start3A_44, %dma_start3A_45] : memref<10112x128xf32, #tpu.memory_space<hbm>> -> memref<10112x128xf32, #tpu.memory_space<hbm>>
        tpu.enqueue_indirect_dma source(%dma_start3A_46 : memref<10112x128xf32, #tpu.memory_space<hbm>>) target(%arg11 : memref<128x128xf32, #tpu.memory_space<vmem>>) offsets(%arg7 : memref<128xi32, #tpu.memory_space<vmem>>) semaphore(%arg14 : memref<!tpu.dma_semaphore, #tpu.memory_space<semaphore_mem>>)
        %dma_start3A_47 = arith.constant 0 : i32
        %dma_start3A_48 = arith.constant 0 : i32
        %dma_start3A_49 = tpu.memref_slice %arg2[%dma_start3A_47, %dma_start3A_48] : memref<10112x128xf32, #tpu.memory_space<hbm>> -> memref<10112x128xf32, #tpu.memory_space<hbm>>
        tpu.enqueue_indirect_dma source(%dma_start3A_49 : memref<10112x128xf32, #tpu.memory_space<hbm>>) target(%arg12 : memref<128x128xf32, #tpu.memory_space<vmem>>) offsets(%arg8 : memref<128xi32, #tpu.memory_space<vmem>>) semaphore(%arg15 : memref<!tpu.dma_semaphore, #tpu.memory_space<semaphore_mem>>)
        %dma_wait3A_50 = arith.constant 0 : i32
        %dma_wait3A_51 = arith.constant 0 : i32
        %dma_wait3A_52 = tpu.memref_slice %arg2[%dma_wait3A_50, %dma_wait3A_51] : memref<10112x128xf32, #tpu.memory_space<hbm>> -> memref<10112x128xf32, #tpu.memory_space<hbm>>
        tpu.wait_indirect_dma semaphore(%arg14 : memref<!tpu.dma_semaphore, #tpu.memory_space<semaphore_mem>>) src(%dma_wait3A_52 : memref<10112x128xf32, #tpu.memory_space<hbm>>) dst(%arg11 : memref<128x128xf32, #tpu.memory_space<vmem>>)
        %dma_start3A_53 = arith.constant 0 : i32
        %dma_start3A_54 = arith.constant 0 : i32
        %dma_start3A_55 = tpu.memref_slice %arg13[%dma_start3A_53, %dma_start3A_54] : memref<10112x128xf32, #tpu.memory_space<vmem_shared>> -> memref<10112x128xf32, #tpu.memory_space<vmem_shared>>
        tpu.enqueue_indirect_dma source(%arg11 : memref<128x128xf32, #tpu.memory_space<vmem>>) target(%dma_start3A_55 : memref<10112x128xf32, #tpu.memory_space<vmem_shared>>) offsets(%arg9 : memref<128xi32, #tpu.memory_space<vmem>>) semaphore(%arg17 : memref<!tpu.dma_semaphore, #tpu.memory_space<semaphore_mem>>) {add = true}
        %dma_wait3A_56 = arith.constant 0 : i32
        %dma_wait3A_57 = arith.constant 0 : i32
        %dma_wait3A_58 = tpu.memref_slice %arg2[%dma_wait3A_56, %dma_wait3A_57] : memref<10112x128xf32, #tpu.memory_space<hbm>> -> memref<10112x128xf32, #tpu.memory_space<hbm>>
        tpu.wait_indirect_dma semaphore(%arg15 : memref<!tpu.dma_semaphore, #tpu.memory_space<semaphore_mem>>) src(%dma_wait3A_58 : memref<10112x128xf32, #tpu.memory_space<hbm>>) dst(%arg12 : memref<128x128xf32, #tpu.memory_space<vmem>>)
        %dma_start3A_59 = arith.constant 0 : i32
        %dma_start3A_60 = arith.constant 0 : i32
        %dma_start3A_61 = tpu.memref_slice %arg13[%dma_start3A_59, %dma_start3A_60] : memref<10112x128xf32, #tpu.memory_space<vmem_shared>> -> memref<10112x128xf32, #tpu.memory_space<vmem_shared>>
        tpu.enqueue_indirect_dma source(%arg12 : memref<128x128xf32, #tpu.memory_space<vmem>>) target(%dma_start3A_61 : memref<10112x128xf32, #tpu.memory_space<vmem_shared>>) offsets(%arg10 : memref<128xi32, #tpu.memory_space<vmem>>) semaphore(%arg17 : memref<!tpu.dma_semaphore, #tpu.memory_space<semaphore_mem>>) {add = true}
        %dma_wait3A_62 = arith.constant 0 : i32
        %dma_wait3A_63 = arith.constant 0 : i32
        %dma_wait3A_64 = tpu.memref_slice %arg13[%dma_wait3A_62, %dma_wait3A_63] : memref<10112x128xf32, #tpu.memory_space<vmem_shared>> -> memref<10112x128xf32, #tpu.memory_space<vmem_shared>>
        tpu.wait_indirect_dma semaphore(%arg17 : memref<!tpu.dma_semaphore, #tpu.memory_space<semaphore_mem>>) src(%arg11 : memref<128x128xf32, #tpu.memory_space<vmem>>) dst(%dma_wait3A_64 : memref<10112x128xf32, #tpu.memory_space<vmem_shared>>)
        %dma_wait3A_65 = arith.constant 0 : i32
        %dma_wait3A_66 = arith.constant 0 : i32
        %dma_wait3A_67 = tpu.memref_slice %arg13[%dma_wait3A_65, %dma_wait3A_66] : memref<10112x128xf32, #tpu.memory_space<vmem_shared>> -> memref<10112x128xf32, #tpu.memory_space<vmem_shared>>
        tpu.wait_indirect_dma semaphore(%arg17 : memref<!tpu.dma_semaphore, #tpu.memory_space<semaphore_mem>>) src(%arg12 : memref<128x128xf32, #tpu.memory_space<vmem>>) dst(%dma_wait3A_67 : memref<10112x128xf32, #tpu.memory_space<vmem_shared>>)
      }
      %scan3A_16 = arith.constant 53 : i32
    } else {
    }
    %ne3A = arith.constant 0 : i32
    %ne3A_3 = arith.cmpi ne, %arg0, %ne3A : i32
    %convert_element_type3A_4 = arith.extui %ne3A_3 : i1 to i32
    %cond3A_5 = arith.constant 0 : i32
    %cond3A_6 = arith.cmpi ne, %convert_element_type3A_4, %cond3A_5 : i32
    scf.if %cond3A_6 {
      %mul3A_8 = arith.constant 51 : i32
      %mul3A_9 = arith.muli %arg1, %mul3A_8 : i32
      %add3A = arith.constant 1696 : i32
      %add3A_10 = arith.addi %add3A, %mul3A_9 : i32
      %mul3A_11 = arith.constant 128 : i32
      %mul3A_12 = arith.muli %add3A_10, %mul3A_11 : i32
      %scan3A = arith.constant 0 : i32
      %scan3A_13 = arith.constant 0 : i32
      %scan3A_14 = arith.constant 51 : i32
      %scan3A_15 = arith.addi %scan3A_13, %scan3A_14 : i32
      %scan3A_16 = arith.constant 1 : i32
      scf.for %scan3A_18 = %scan3A_13 to %scan3A_15 step %scan3A_16  : i32 {
        %mul3A_19 = arith.constant 128 : i32
        %mul3A_20 = arith.muli %scan3A_18, %mul3A_19 : i32
        %add3A_21 = arith.addi %mul3A_12, %mul3A_20 : i32
        "tpu.region"() ({
          %run_scoped3A = tpu.sem_alloc : memref<!tpu.dma_semaphore, #tpu.memory_space<semaphore_mem>>
          %dma_start3A_26 = tpu.memref_slice %arg3[%add3A_21] : memref<321536xi32, #tpu.memory_space<hbm>> -> memref<128xi32, #tpu.memory_space<hbm>>
          %dma_start3A_27 = tpu.memref_slice %arg3[%add3A_21] : memref<321536xi32, #tpu.memory_space<hbm>> -> memref<128xi32, #tpu.memory_space<hbm>>
          tpu.enqueue_dma source(%dma_start3A_27 : memref<128xi32, #tpu.memory_space<hbm>>) target(%arg7 : memref<128xi32, #tpu.memory_space<vmem>>) target_semaphore(%run_scoped3A : memref<!tpu.dma_semaphore, #tpu.memory_space<semaphore_mem>>)
          %dma_wait3A_28 = tpu.memref_slice %arg3[%add3A_21] : memref<321536xi32, #tpu.memory_space<hbm>> -> memref<128xi32, #tpu.memory_space<hbm>>
          %dma_wait3A_29 = tpu.memref_slice %arg3[%add3A_21] : memref<321536xi32, #tpu.memory_space<hbm>> -> memref<128xi32, #tpu.memory_space<hbm>>
          tpu.wait_dma2 semaphore(%run_scoped3A : memref<!tpu.dma_semaphore, #tpu.memory_space<semaphore_mem>>) src(%dma_wait3A_29 : memref<128xi32, #tpu.memory_space<hbm>>) dst(%arg7 : memref<128xi32, #tpu.memory_space<vmem>>)
          tpu.yield
        }) : () -> ()
        "tpu.region"() ({
          %run_scoped3A = tpu.sem_alloc : memref<!tpu.dma_semaphore, #tpu.memory_space<semaphore_mem>>
          %dma_start3A_26 = tpu.memref_slice %arg4[%add3A_21] : memref<321536xi32, #tpu.memory_space<hbm>> -> memref<128xi32, #tpu.memory_space<hbm>>
          %dma_start3A_27 = tpu.memref_slice %arg4[%add3A_21] : memref<321536xi32, #tpu.memory_space<hbm>> -> memref<128xi32, #tpu.memory_space<hbm>>
          tpu.enqueue_dma source(%dma_start3A_27 : memref<128xi32, #tpu.memory_space<hbm>>) target(%arg9 : memref<128xi32, #tpu.memory_space<vmem>>) target_semaphore(%run_scoped3A : memref<!tpu.dma_semaphore, #tpu.memory_space<semaphore_mem>>)
          %dma_wait3A_28 = tpu.memref_slice %arg4[%add3A_21] : memref<321536xi32, #tpu.memory_space<hbm>> -> memref<128xi32, #tpu.memory_space<hbm>>
          %dma_wait3A_29 = tpu.memref_slice %arg4[%add3A_21] : memref<321536xi32, #tpu.memory_space<hbm>> -> memref<128xi32, #tpu.memory_space<hbm>>
          tpu.wait_dma2 semaphore(%run_scoped3A : memref<!tpu.dma_semaphore, #tpu.memory_space<semaphore_mem>>) src(%dma_wait3A_29 : memref<128xi32, #tpu.memory_space<hbm>>) dst(%arg9 : memref<128xi32, #tpu.memory_space<vmem>>)
          tpu.yield
        }) : () -> ()
        %dma_start3A = arith.constant 0 : i32
        %dma_start3A_22 = arith.constant 0 : i32
        %dma_start3A_23 = tpu.memref_slice %arg2[%dma_start3A, %dma_start3A_22] : memref<10112x128xf32, #tpu.memory_space<hbm>> -> memref<10112x128xf32, #tpu.memory_space<hbm>>
        tpu.enqueue_indirect_dma source(%dma_start3A_23 : memref<10112x128xf32, #tpu.memory_space<hbm>>) target(%arg11 : memref<128x128xf32, #tpu.memory_space<vmem>>) offsets(%arg7 : memref<128xi32, #tpu.memory_space<vmem>>) semaphore(%arg14 : memref<!tpu.dma_semaphore, #tpu.memory_space<semaphore_mem>>)
        %dma_wait3A = arith.constant 0 : i32
        %dma_wait3A_24 = arith.constant 0 : i32
        %dma_wait3A_25 = tpu.memref_slice %arg2[%dma_wait3A, %dma_wait3A_24] : memref<10112x128xf32, #tpu.memory_space<hbm>> -> memref<10112x128xf32, #tpu.memory_space<hbm>>
        tpu.wait_indirect_dma semaphore(%arg14 : memref<!tpu.dma_semaphore, #tpu.memory_space<semaphore_mem>>) src(%dma_wait3A_25 : memref<10112x128xf32, #tpu.memory_space<hbm>>) dst(%arg11 : memref<128x128xf32, #tpu.memory_space<vmem>>)
        "tpu.region"() ({
          %run_scoped3A = tpu.sem_alloc : memref<!tpu.dma_semaphore, #tpu.memory_space<semaphore_mem>>
          %dma_start3A_26 = arith.constant 0 : i32
          %dma_start3A_27 = arith.constant 0 : i32
          %dma_start3A_28 = tpu.memref_slice %arg13[%dma_start3A_26, %dma_start3A_27] : memref<10112x128xf32, #tpu.memory_space<vmem_shared>> -> memref<10112x128xf32, #tpu.memory_space<vmem_shared>>
          tpu.enqueue_indirect_dma source(%arg11 : memref<128x128xf32, #tpu.memory_space<vmem>>) target(%dma_start3A_28 : memref<10112x128xf32, #tpu.memory_space<vmem_shared>>) offsets(%arg9 : memref<128xi32, #tpu.memory_space<vmem>>) semaphore(%run_scoped3A : memref<!tpu.dma_semaphore, #tpu.memory_space<semaphore_mem>>) {add = true}
          %dma_wait3A_29 = arith.constant 0 : i32
          %dma_wait3A_30 = arith.constant 0 : i32
          %dma_wait3A_31 = tpu.memref_slice %arg13[%dma_wait3A_29, %dma_wait3A_30] : memref<10112x128xf32, #tpu.memory_space<vmem_shared>> -> memref<10112x128xf32, #tpu.memory_space<vmem_shared>>
          tpu.wait_indirect_dma semaphore(%run_scoped3A : memref<!tpu.dma_semaphore, #tpu.memory_space<semaphore_mem>>) src(%arg11 : memref<128x128xf32, #tpu.memory_space<vmem>>) dst(%dma_wait3A_31 : memref<10112x128xf32, #tpu.memory_space<vmem_shared>>)
          tpu.yield
        }) : () -> ()
      }
      %scan3A_17 = arith.constant 51 : i32
    } else {
    }
    %barrier3A_7 = arith.constant 0 : index
    tpu.barrier barrier_id(%barrier3A_7)
    "tpu.region"() ({
      %run_scoped3A = tpu.sem_alloc : memref<!tpu.dma_semaphore, #tpu.memory_space<semaphore_mem>>
      %dma_start3A = arith.constant 0 : i32
      %dma_start3A_8 = tpu.memref_slice %arg6[%arg0, %mul3A_0, %dma_start3A] : memref<2x10112x128xf32, #tpu.memory_space<hbm>> -> memref<1x632x128xf32, #tpu.memory_space<hbm>>
      %dma_start3A_9 = tpu.memref_squeeze %dma_start3A_8 : memref<1x632x128xf32, #tpu.memory_space<hbm>> -> memref<632x128xf32, #tpu.memory_space<hbm>>
      %dma_start3A_10 = arith.constant 0 : i32
      %dma_start3A_11 = tpu.memref_slice %arg13[%mul3A_0, %dma_start3A_10] : memref<10112x128xf32, #tpu.memory_space<vmem_shared>> -> memref<632x128xf32, #tpu.memory_space<vmem_shared>>
      tpu.enqueue_dma source(%dma_start3A_11 : memref<632x128xf32, #tpu.memory_space<vmem_shared>>) target(%dma_start3A_9 : memref<632x128xf32, #tpu.memory_space<hbm>>) target_semaphore(%run_scoped3A : memref<!tpu.dma_semaphore, #tpu.memory_space<semaphore_mem>>)
      %dma_wait3A = arith.constant 0 : i32
      %dma_wait3A_12 = tpu.memref_slice %arg6[%arg0, %mul3A_0, %dma_wait3A] : memref<2x10112x128xf32, #tpu.memory_space<hbm>> -> memref<1x632x128xf32, #tpu.memory_space<hbm>>
      %dma_wait3A_13 = tpu.memref_squeeze %dma_wait3A_12 : memref<1x632x128xf32, #tpu.memory_space<hbm>> -> memref<632x128xf32, #tpu.memory_space<hbm>>
      %dma_wait3A_14 = arith.constant 0 : i32
      %dma_wait3A_15 = tpu.memref_slice %arg13[%mul3A_0, %dma_wait3A_14] : memref<10112x128xf32, #tpu.memory_space<vmem_shared>> -> memref<632x128xf32, #tpu.memory_space<vmem_shared>>
      tpu.wait_dma2 semaphore(%run_scoped3A : memref<!tpu.dma_semaphore, #tpu.memory_space<semaphore_mem>>) src(%dma_wait3A_15 : memref<632x128xf32, #tpu.memory_space<vmem_shared>>) dst(%dma_wait3A_13 : memref<632x128xf32, #tpu.memory_space<hbm>>)
      tpu.yield
    }) : () -> ()
    return
  }
}

#map = affine_map<(d0, d1) -> (0, 0)>
#map1 = affine_map<(d0, d1) -> (0)>
#map2 = affine_map<(d0, d1) -> (0, 0, 0)>
module attributes {stable_mosaic.version = 14 : i64} {
  func.func @k(%arg0: i32, %arg1: i32, %arg2: memref<10112x128xf32, #tpu.memory_space<hbm>>, %arg3: memref<321536xi32, #tpu.memory_space<hbm>>, %arg4: memref<321536xi32, #tpu.memory_space<hbm>>, %arg5: memref<10112x128xf32, #tpu.memory_space<hbm>>, %arg6: memref<2x10112x128xf32, #tpu.memory_space<hbm>>, %arg7: memref<128xi32, #tpu.memory_space<vmem>>, %arg8: memref<128xi32, #tpu.memory_space<vmem>>, %arg9: memref<128xi32, #tpu.memory_space<vmem>>, %arg10: memref<128xi32, #tpu.memory_space<vmem>>, %arg11: memref<128x128xf32, #tpu.memory_space<vmem>>, %arg12: memref<128x128xf32, #tpu.memory_space<vmem>>, %arg13: memref<10112x128xf32, #tpu.memory_space<vmem_shared>>, %arg14: memref<!tpu.dma_semaphore, #tpu.memory_space<semaphore_mem>>, %arg15: memref<!tpu.dma_semaphore, #tpu.memory_space<semaphore_mem>>, %arg16: memref<!tpu.dma_semaphore, #tpu.memory_space<semaphore_mem>>, %arg17: memref<!tpu.dma_semaphore, #tpu.memory_space<semaphore_mem>>) attributes {dimension_semantics = [#tpu.dimension_semantics<core_parallel>, #tpu.dimension_semantics<subcore_parallel>], iteration_bounds = array<i64: 2, 16>, scalar_prefetch = 0 : i64, scratch_operands = 11 : i64, tpu.core_type = #tpu.core_type<sc_vector_subcore>, window_params = [{transform_indices = #map}, {transform_indices = #map1}, {transform_indices = #map1}, {transform_indices = #map}, {transform_indices = #map2}]} {
    %mul3A = arith.constant 632 : i32
    %mul3A_0 = arith.muli %arg1, %mul3A : i32
    "tpu.region"() ({
      %run_scoped3A = tpu.sem_alloc : memref<!tpu.dma_semaphore, #tpu.memory_space<semaphore_mem>>
      %dma_start3A = arith.constant 0 : i32
      %dma_start3A_8 = tpu.memref_slice %arg13[%mul3A_0, %dma_start3A] : memref<10112x128xf32, #tpu.memory_space<vmem_shared>> -> memref<632x128xf32, #tpu.memory_space<vmem_shared>>
      %dma_start3A_9 = arith.constant 0 : i32
      %dma_start3A_10 = tpu.memref_slice %arg5[%mul3A_0, %dma_start3A_9] : memref<10112x128xf32, #tpu.memory_space<hbm>> -> memref<632x128xf32, #tpu.memory_space<hbm>>
      tpu.enqueue_dma source(%dma_start3A_10 : memref<632x128xf32, #tpu.memory_space<hbm>>) target(%dma_start3A_8 : memref<632x128xf32, #tpu.memory_space<vmem_shared>>) target_semaphore(%run_scoped3A : memref<!tpu.dma_semaphore, #tpu.memory_space<semaphore_mem>>)
      %dma_wait3A = arith.constant 0 : i32
      %dma_wait3A_11 = tpu.memref_slice %arg13[%mul3A_0, %dma_wait3A] : memref<10112x128xf32, #tpu.memory_space<vmem_shared>> -> memref<632x128xf32, #tpu.memory_space<vmem_shared>>
      %dma_wait3A_12 = arith.constant 0 : i32
      %dma_wait3A_13 = tpu.memref_slice %arg5[%mul3A_0, %dma_wait3A_12] : memref<10112x128xf32, #tpu.memory_space<hbm>> -> memref<632x128xf32, #tpu.memory_space<hbm>>
      tpu.wait_dma2 semaphore(%run_scoped3A : memref<!tpu.dma_semaphore, #tpu.memory_space<semaphore_mem>>) src(%dma_wait3A_13 : memref<632x128xf32, #tpu.memory_space<hbm>>) dst(%dma_wait3A_11 : memref<632x128xf32, #tpu.memory_space<vmem_shared>>)
      tpu.yield
    }) : () -> ()
    %barrier3A = arith.constant 0 : index
    tpu.barrier barrier_id(%barrier3A)
    %eq3A = arith.constant 0 : i32
    %eq3A_1 = arith.cmpi eq, %arg0, %eq3A : i32
    %convert_element_type3A = arith.extui %eq3A_1 : i1 to i32
    %cond3A = arith.constant 0 : i32
    %cond3A_2 = arith.cmpi ne, %convert_element_type3A, %cond3A : i32
    scf.if %cond3A_2 {
      %mul3A_8 = arith.constant 106 : i32
      %mul3A_9 = arith.muli %arg1, %mul3A_8 : i32
      %mul3A_10 = arith.constant 128 : i32
      %mul3A_11 = arith.muli %mul3A_9, %mul3A_10 : i32
      %scan3A = arith.constant 0 : i32
      %scan3A_12 = arith.constant 0 : i32
      %scan3A_13 = arith.constant 53 : i32
      %scan3A_14 = arith.addi %scan3A_12, %scan3A_13 : i32
      %scan3A_15 = arith.constant 1 : i32
      scf.for %scan3A_17 = %scan3A_12 to %scan3A_14 step %scan3A_15  : i32 {
        %mul3A_18 = arith.constant 2 : i32
        %mul3A_19 = arith.muli %scan3A_17, %mul3A_18 : i32
        %mul3A_20 = arith.constant 128 : i32
        %mul3A_21 = arith.muli %mul3A_19, %mul3A_20 : i32
        %add3A = arith.addi %mul3A_11, %mul3A_21 : i32
        %add3A_22 = arith.constant 0 : i32
        %add3A_23 = arith.addi %add3A, %add3A_22 : i32
        %dma_start3A = tpu.memref_slice %arg3[%add3A_23] : memref<321536xi32, #tpu.memory_space<hbm>> -> memref<128xi32, #tpu.memory_space<hbm>>
        %dma_start3A_24 = tpu.memref_slice %arg3[%add3A_23] : memref<321536xi32, #tpu.memory_space<hbm>> -> memref<128xi32, #tpu.memory_space<hbm>>
        tpu.enqueue_dma source(%dma_start3A_24 : memref<128xi32, #tpu.memory_space<hbm>>) target(%arg7 : memref<128xi32, #tpu.memory_space<vmem>>) target_semaphore(%arg16 : memref<!tpu.dma_semaphore, #tpu.memory_space<semaphore_mem>>)
        %add3A_25 = arith.constant 128 : i32
        %add3A_26 = arith.addi %add3A, %add3A_25 : i32
        %dma_start3A_27 = tpu.memref_slice %arg3[%add3A_26] : memref<321536xi32, #tpu.memory_space<hbm>> -> memref<128xi32, #tpu.memory_space<hbm>>
        %dma_start3A_28 = tpu.memref_slice %arg3[%add3A_26] : memref<321536xi32, #tpu.memory_space<hbm>> -> memref<128xi32, #tpu.memory_space<hbm>>
        tpu.enqueue_dma source(%dma_start3A_28 : memref<128xi32, #tpu.memory_space<hbm>>) target(%arg8 : memref<128xi32, #tpu.memory_space<vmem>>) target_semaphore(%arg16 : memref<!tpu.dma_semaphore, #tpu.memory_space<semaphore_mem>>)
        %add3A_29 = arith.constant 0 : i32
        %add3A_30 = arith.addi %add3A, %add3A_29 : i32
        %dma_start3A_31 = tpu.memref_slice %arg4[%add3A_30] : memref<321536xi32, #tpu.memory_space<hbm>> -> memref<128xi32, #tpu.memory_space<hbm>>
        %dma_start3A_32 = tpu.memref_slice %arg4[%add3A_30] : memref<321536xi32, #tpu.memory_space<hbm>> -> memref<128xi32, #tpu.memory_space<hbm>>
        tpu.enqueue_dma source(%dma_start3A_32 : memref<128xi32, #tpu.memory_space<hbm>>) target(%arg9 : memref<128xi32, #tpu.memory_space<vmem>>) target_semaphore(%arg16 : memref<!tpu.dma_semaphore, #tpu.memory_space<semaphore_mem>>)
        %add3A_33 = arith.constant 128 : i32
        %add3A_34 = arith.addi %add3A, %add3A_33 : i32
        %dma_start3A_35 = tpu.memref_slice %arg4[%add3A_34] : memref<321536xi32, #tpu.memory_space<hbm>> -> memref<128xi32, #tpu.memory_space<hbm>>
        %dma_start3A_36 = tpu.memref_slice %arg4[%add3A_34] : memref<321536xi32, #tpu.memory_space<hbm>> -> memref<128xi32, #tpu.memory_space<hbm>>
        tpu.enqueue_dma source(%dma_start3A_36 : memref<128xi32, #tpu.memory_space<hbm>>) target(%arg10 : memref<128xi32, #tpu.memory_space<vmem>>) target_semaphore(%arg16 : memref<!tpu.dma_semaphore, #tpu.memory_space<semaphore_mem>>)
        %dma_wait3A = tpu.memref_slice %arg3[%add3A_23] : memref<321536xi32, #tpu.memory_space<hbm>> -> memref<128xi32, #tpu.memory_space<hbm>>
        %dma_wait3A_37 = tpu.memref_slice %arg3[%add3A_23] : memref<321536xi32, #tpu.memory_space<hbm>> -> memref<128xi32, #tpu.memory_space<hbm>>
        tpu.wait_dma2 semaphore(%arg16 : memref<!tpu.dma_semaphore, #tpu.memory_space<semaphore_mem>>) src(%dma_wait3A_37 : memref<128xi32, #tpu.memory_space<hbm>>) dst(%arg7 : memref<128xi32, #tpu.memory_space<vmem>>)
        %dma_wait3A_38 = tpu.memref_slice %arg3[%add3A_26] : memref<321536xi32, #tpu.memory_space<hbm>> -> memref<128xi32, #tpu.memory_space<hbm>>
        %dma_wait3A_39 = tpu.memref_slice %arg3[%add3A_26] : memref<321536xi32, #tpu.memory_space<hbm>> -> memref<128xi32, #tpu.memory_space<hbm>>
        tpu.wait_dma2 semaphore(%arg16 : memref<!tpu.dma_semaphore, #tpu.memory_space<semaphore_mem>>) src(%dma_wait3A_39 : memref<128xi32, #tpu.memory_space<hbm>>) dst(%arg8 : memref<128xi32, #tpu.memory_space<vmem>>)
        %dma_wait3A_40 = tpu.memref_slice %arg4[%add3A_30] : memref<321536xi32, #tpu.memory_space<hbm>> -> memref<128xi32, #tpu.memory_space<hbm>>
        %dma_wait3A_41 = tpu.memref_slice %arg4[%add3A_30] : memref<321536xi32, #tpu.memory_space<hbm>> -> memref<128xi32, #tpu.memory_space<hbm>>
        tpu.wait_dma2 semaphore(%arg16 : memref<!tpu.dma_semaphore, #tpu.memory_space<semaphore_mem>>) src(%dma_wait3A_41 : memref<128xi32, #tpu.memory_space<hbm>>) dst(%arg9 : memref<128xi32, #tpu.memory_space<vmem>>)
        %dma_wait3A_42 = tpu.memref_slice %arg4[%add3A_34] : memref<321536xi32, #tpu.memory_space<hbm>> -> memref<128xi32, #tpu.memory_space<hbm>>
        %dma_wait3A_43 = tpu.memref_slice %arg4[%add3A_34] : memref<321536xi32, #tpu.memory_space<hbm>> -> memref<128xi32, #tpu.memory_space<hbm>>
        tpu.wait_dma2 semaphore(%arg16 : memref<!tpu.dma_semaphore, #tpu.memory_space<semaphore_mem>>) src(%dma_wait3A_43 : memref<128xi32, #tpu.memory_space<hbm>>) dst(%arg10 : memref<128xi32, #tpu.memory_space<vmem>>)
        %dma_start3A_44 = arith.constant 0 : i32
        %dma_start3A_45 = arith.constant 0 : i32
        %dma_start3A_46 = tpu.memref_slice %arg2[%dma_start3A_44, %dma_start3A_45] : memref<10112x128xf32, #tpu.memory_space<hbm>> -> memref<10112x128xf32, #tpu.memory_space<hbm>>
        tpu.enqueue_indirect_dma source(%dma_start3A_46 : memref<10112x128xf32, #tpu.memory_space<hbm>>) target(%arg11 : memref<128x128xf32, #tpu.memory_space<vmem>>) offsets(%arg7 : memref<128xi32, #tpu.memory_space<vmem>>) semaphore(%arg14 : memref<!tpu.dma_semaphore, #tpu.memory_space<semaphore_mem>>)
        %dma_start3A_47 = arith.constant 0 : i32
        %dma_start3A_48 = arith.constant 0 : i32
        %dma_start3A_49 = tpu.memref_slice %arg2[%dma_start3A_47, %dma_start3A_48] : memref<10112x128xf32, #tpu.memory_space<hbm>> -> memref<10112x128xf32, #tpu.memory_space<hbm>>
        tpu.enqueue_indirect_dma source(%dma_start3A_49 : memref<10112x128xf32, #tpu.memory_space<hbm>>) target(%arg12 : memref<128x128xf32, #tpu.memory_space<vmem>>) offsets(%arg8 : memref<128xi32, #tpu.memory_space<vmem>>) semaphore(%arg15 : memref<!tpu.dma_semaphore, #tpu.memory_space<semaphore_mem>>)
        %dma_wait3A_50 = arith.constant 0 : i32
        %dma_wait3A_51 = arith.constant 0 : i32
        %dma_wait3A_52 = tpu.memref_slice %arg2[%dma_wait3A_50, %dma_wait3A_51] : memref<10112x128xf32, #tpu.memory_space<hbm>> -> memref<10112x128xf32, #tpu.memory_space<hbm>>
        tpu.wait_indirect_dma semaphore(%arg14 : memref<!tpu.dma_semaphore, #tpu.memory_space<semaphore_mem>>) src(%dma_wait3A_52 : memref<10112x128xf32, #tpu.memory_space<hbm>>) dst(%arg11 : memref<128x128xf32, #tpu.memory_space<vmem>>)
        %dma_start3A_53 = arith.constant 0 : i32
        %dma_start3A_54 = arith.constant 0 : i32
        %dma_start3A_55 = tpu.memref_slice %arg13[%dma_start3A_53, %dma_start3A_54] : memref<10112x128xf32, #tpu.memory_space<vmem_shared>> -> memref<10112x128xf32, #tpu.memory_space<vmem_shared>>
        tpu.enqueue_indirect_dma source(%arg11 : memref<128x128xf32, #tpu.memory_space<vmem>>) target(%dma_start3A_55 : memref<10112x128xf32, #tpu.memory_space<vmem_shared>>) offsets(%arg9 : memref<128xi32, #tpu.memory_space<vmem>>) semaphore(%arg17 : memref<!tpu.dma_semaphore, #tpu.memory_space<semaphore_mem>>) {add = true}
        %dma_wait3A_56 = arith.constant 0 : i32
        %dma_wait3A_57 = arith.constant 0 : i32
        %dma_wait3A_58 = tpu.memref_slice %arg2[%dma_wait3A_56, %dma_wait3A_57] : memref<10112x128xf32, #tpu.memory_space<hbm>> -> memref<10112x128xf32, #tpu.memory_space<hbm>>
        tpu.wait_indirect_dma semaphore(%arg15 : memref<!tpu.dma_semaphore, #tpu.memory_space<semaphore_mem>>) src(%dma_wait3A_58 : memref<10112x128xf32, #tpu.memory_space<hbm>>) dst(%arg12 : memref<128x128xf32, #tpu.memory_space<vmem>>)
        %dma_start3A_59 = arith.constant 0 : i32
        %dma_start3A_60 = arith.constant 0 : i32
        %dma_start3A_61 = tpu.memref_slice %arg13[%dma_start3A_59, %dma_start3A_60] : memref<10112x128xf32, #tpu.memory_space<vmem_shared>> -> memref<10112x128xf32, #tpu.memory_space<vmem_shared>>
        tpu.enqueue_indirect_dma source(%arg12 : memref<128x128xf32, #tpu.memory_space<vmem>>) target(%dma_start3A_61 : memref<10112x128xf32, #tpu.memory_space<vmem_shared>>) offsets(%arg10 : memref<128xi32, #tpu.memory_space<vmem>>) semaphore(%arg17 : memref<!tpu.dma_semaphore, #tpu.memory_space<semaphore_mem>>) {add = true}
        %dma_wait3A_62 = arith.constant 0 : i32
        %dma_wait3A_63 = arith.constant 0 : i32
        %dma_wait3A_64 = tpu.memref_slice %arg13[%dma_wait3A_62, %dma_wait3A_63] : memref<10112x128xf32, #tpu.memory_space<vmem_shared>> -> memref<10112x128xf32, #tpu.memory_space<vmem_shared>>
        tpu.wait_indirect_dma semaphore(%arg17 : memref<!tpu.dma_semaphore, #tpu.memory_space<semaphore_mem>>) src(%arg11 : memref<128x128xf32, #tpu.memory_space<vmem>>) dst(%dma_wait3A_64 : memref<10112x128xf32, #tpu.memory_space<vmem_shared>>)
        %dma_wait3A_65 = arith.constant 0 : i32
        %dma_wait3A_66 = arith.constant 0 : i32
        %dma_wait3A_67 = tpu.memref_slice %arg13[%dma_wait3A_65, %dma_wait3A_66] : memref<10112x128xf32, #tpu.memory_space<vmem_shared>> -> memref<10112x128xf32, #tpu.memory_space<vmem_shared>>
        tpu.wait_indirect_dma semaphore(%arg17 : memref<!tpu.dma_semaphore, #tpu.memory_space<semaphore_mem>>) src(%arg12 : memref<128x128xf32, #tpu.memory_space<vmem>>) dst(%dma_wait3A_67 : memref<10112x128xf32, #tpu.memory_space<vmem_shared>>)
      }
      %scan3A_16 = arith.constant 53 : i32
    } else {
    }
    %ne3A = arith.constant 0 : i32
    %ne3A_3 = arith.cmpi ne, %arg0, %ne3A : i32
    %convert_element_type3A_4 = arith.extui %ne3A_3 : i1 to i32
    %cond3A_5 = arith.constant 0 : i32
    %cond3A_6 = arith.cmpi ne, %convert_element_type3A_4, %cond3A_5 : i32
    scf.if %cond3A_6 {
      %mul3A_8 = arith.constant 51 : i32
      %mul3A_9 = arith.muli %arg1, %mul3A_8 : i32
      %add3A = arith.constant 1696 : i32
      %add3A_10 = arith.addi %add3A, %mul3A_9 : i32
      %mul3A_11 = arith.constant 128 : i32
      %mul3A_12 = arith.muli %add3A_10, %mul3A_11 : i32
      %scan3A = arith.constant 0 : i32
      %scan3A_13 = arith.constant 0 : i32
      %scan3A_14 = arith.constant 51 : i32
      %scan3A_15 = arith.addi %scan3A_13, %scan3A_14 : i32
      %scan3A_16 = arith.constant 1 : i32
      scf.for %scan3A_18 = %scan3A_13 to %scan3A_15 step %scan3A_16  : i32 {
        %mul3A_19 = arith.constant 128 : i32
        %mul3A_20 = arith.muli %scan3A_18, %mul3A_19 : i32
        %add3A_21 = arith.addi %mul3A_12, %mul3A_20 : i32
        "tpu.region"() ({
          %run_scoped3A = tpu.sem_alloc : memref<!tpu.dma_semaphore, #tpu.memory_space<semaphore_mem>>
          %dma_start3A_26 = tpu.memref_slice %arg3[%add3A_21] : memref<321536xi32, #tpu.memory_space<hbm>> -> memref<128xi32, #tpu.memory_space<hbm>>
          %dma_start3A_27 = tpu.memref_slice %arg3[%add3A_21] : memref<321536xi32, #tpu.memory_space<hbm>> -> memref<128xi32, #tpu.memory_space<hbm>>
          tpu.enqueue_dma source(%dma_start3A_27 : memref<128xi32, #tpu.memory_space<hbm>>) target(%arg7 : memref<128xi32, #tpu.memory_space<vmem>>) target_semaphore(%run_scoped3A : memref<!tpu.dma_semaphore, #tpu.memory_space<semaphore_mem>>)
          %dma_wait3A_28 = tpu.memref_slice %arg3[%add3A_21] : memref<321536xi32, #tpu.memory_space<hbm>> -> memref<128xi32, #tpu.memory_space<hbm>>
          %dma_wait3A_29 = tpu.memref_slice %arg3[%add3A_21] : memref<321536xi32, #tpu.memory_space<hbm>> -> memref<128xi32, #tpu.memory_space<hbm>>
          tpu.wait_dma2 semaphore(%run_scoped3A : memref<!tpu.dma_semaphore, #tpu.memory_space<semaphore_mem>>) src(%dma_wait3A_29 : memref<128xi32, #tpu.memory_space<hbm>>) dst(%arg7 : memref<128xi32, #tpu.memory_space<vmem>>)
          tpu.yield
        }) : () -> ()
        "tpu.region"() ({
          %run_scoped3A = tpu.sem_alloc : memref<!tpu.dma_semaphore, #tpu.memory_space<semaphore_mem>>
          %dma_start3A_26 = tpu.memref_slice %arg4[%add3A_21] : memref<321536xi32, #tpu.memory_space<hbm>> -> memref<128xi32, #tpu.memory_space<hbm>>
          %dma_start3A_27 = tpu.memref_slice %arg4[%add3A_21] : memref<321536xi32, #tpu.memory_space<hbm>> -> memref<128xi32, #tpu.memory_space<hbm>>
          tpu.enqueue_dma source(%dma_start3A_27 : memref<128xi32, #tpu.memory_space<hbm>>) target(%arg9 : memref<128xi32, #tpu.memory_space<vmem>>) target_semaphore(%run_scoped3A : memref<!tpu.dma_semaphore, #tpu.memory_space<semaphore_mem>>)
          %dma_wait3A_28 = tpu.memref_slice %arg4[%add3A_21] : memref<321536xi32, #tpu.memory_space<hbm>> -> memref<128xi32, #tpu.memory_space<hbm>>
          %dma_wait3A_29 = tpu.memref_slice %arg4[%add3A_21] : memref<321536xi32, #tpu.memory_space<hbm>> -> memref<128xi32, #tpu.memory_space<hbm>>
          tpu.wait_dma2 semaphore(%run_scoped3A : memref<!tpu.dma_semaphore, #tpu.memory_space<semaphore_mem>>) src(%dma_wait3A_29 : memref<128xi32, #tpu.memory_space<hbm>>) dst(%arg9 : memref<128xi32, #tpu.memory_space<vmem>>)
          tpu.yield
        }) : () -> ()
        %dma_start3A = arith.constant 0 : i32
        %dma_start3A_22 = arith.constant 0 : i32
        %dma_start3A_23 = tpu.memref_slice %arg2[%dma_start3A, %dma_start3A_22] : memref<10112x128xf32, #tpu.memory_space<hbm>> -> memref<10112x128xf32, #tpu.memory_space<hbm>>
        tpu.enqueue_indirect_dma source(%dma_start3A_23 : memref<10112x128xf32, #tpu.memory_space<hbm>>) target(%arg11 : memref<128x128xf32, #tpu.memory_space<vmem>>) offsets(%arg7 : memref<128xi32, #tpu.memory_space<vmem>>) semaphore(%arg14 : memref<!tpu.dma_semaphore, #tpu.memory_space<semaphore_mem>>)
        %dma_wait3A = arith.constant 0 : i32
        %dma_wait3A_24 = arith.constant 0 : i32
        %dma_wait3A_25 = tpu.memref_slice %arg2[%dma_wait3A, %dma_wait3A_24] : memref<10112x128xf32, #tpu.memory_space<hbm>> -> memref<10112x128xf32, #tpu.memory_space<hbm>>
        tpu.wait_indirect_dma semaphore(%arg14 : memref<!tpu.dma_semaphore, #tpu.memory_space<semaphore_mem>>) src(%dma_wait3A_25 : memref<10112x128xf32, #tpu.memory_space<hbm>>) dst(%arg11 : memref<128x128xf32, #tpu.memory_space<vmem>>)
        "tpu.region"() ({
          %run_scoped3A = tpu.sem_alloc : memref<!tpu.dma_semaphore, #tpu.memory_space<semaphore_mem>>
          %dma_start3A_26 = arith.constant 0 : i32
          %dma_start3A_27 = arith.constant 0 : i32
          %dma_start3A_28 = tpu.memref_slice %arg13[%dma_start3A_26, %dma_start3A_27] : memref<10112x128xf32, #tpu.memory_space<vmem_shared>> -> memref<10112x128xf32, #tpu.memory_space<vmem_shared>>
          tpu.enqueue_indirect_dma source(%arg11 : memref<128x128xf32, #tpu.memory_space<vmem>>) target(%dma_start3A_28 : memref<10112x128xf32, #tpu.memory_space<vmem_shared>>) offsets(%arg9 : memref<128xi32, #tpu.memory_space<vmem>>) semaphore(%run_scoped3A : memref<!tpu.dma_semaphore, #tpu.memory_space<semaphore_mem>>) {add = true}
          %dma_wait3A_29 = arith.constant 0 : i32
          %dma_wait3A_30 = arith.constant 0 : i32
          %dma_wait3A_31 = tpu.memref_slice %arg13[%dma_wait3A_29, %dma_wait3A_30] : memref<10112x128xf32, #tpu.memory_space<vmem_shared>> -> memref<10112x128xf32, #tpu.memory_space<vmem_shared>>
          tpu.wait_indirect_dma semaphore(%run_scoped3A : memref<!tpu.dma_semaphore, #tpu.memory_space<semaphore_mem>>) src(%arg11 : memref<128x128xf32, #tpu.memory_space<vmem>>) dst(%dma_wait3A_31 : memref<10112x128xf32, #tpu.memory_space<vmem_shared>>)
          tpu.yield
        }) : () -> ()
      }
      %scan3A_17 = arith.constant 51 : i32
    } else {
    }
    %barrier3A_7 = arith.constant 0 : index
    tpu.barrier barrier_id(%barrier3A_7)
    "tpu.region"() ({
      %run_scoped3A = tpu.sem_alloc : memref<!tpu.dma_semaphore, #tpu.memory_space<semaphore_mem>>
      %dma_start3A = arith.constant 0 : i32
      %dma_start3A_8 = tpu.memref_slice %arg6[%arg0, %mul3A_0, %dma_start3A] : memref<2x10112x128xf32, #tpu.memory_space<hbm>> -> memref<1x632x128xf32, #tpu.memory_space<hbm>>
      %dma_start3A_9 = tpu.memref_squeeze %dma_start3A_8 : memref<1x632x128xf32, #tpu.memory_space<hbm>> -> memref<632x128xf32, #tpu.memory_space<hbm>>
      %dma_start3A_10 = arith.constant 0 : i32
      %dma_start3A_11 = tpu.memref_slice %arg13[%mul3A_0, %dma_start3A_10] : memref<10112x128xf32, #tpu.memory_space<vmem_shared>> -> memref<632x128xf32, #tpu.memory_space<vmem_shared>>
      tpu.enqueue_dma source(%dma_start3A_11 : memref<632x128xf32, #tpu.memory_space<vmem_shared>>) target(%dma_start3A_9 : memref<632x128xf32, #tpu.memory_space<hbm>>) target_semaphore(%run_scoped3A : memref<!tpu.dma_semaphore, #tpu.memory_space<semaphore_mem>>)
      %dma_wait3A = arith.constant 0 : i32
      %dma_wait3A_12 = tpu.memref_slice %arg6[%arg0, %mul3A_0, %dma_wait3A] : memref<2x10112x128xf32, #tpu.memory_space<hbm>> -> memref<1x632x128xf32, #tpu.memory_space<hbm>>
      %dma_wait3A_13 = tpu.memref_squeeze %dma_wait3A_12 : memref<1x632x128xf32, #tpu.memory_space<hbm>> -> memref<632x128xf32, #tpu.memory_space<hbm>>
      %dma_wait3A_14 = arith.constant 0 : i32
      %dma_wait3A_15 = tpu.memref_slice %arg13[%mul3A_0, %dma_wait3A_14] : memref<10112x128xf32, #tpu.memory_space<vmem_shared>> -> memref<632x128xf32, #tpu.memory_space<vmem_shared>>
      tpu.wait_dma2 semaphore(%run_scoped3A : memref<!tpu.dma_semaphore, #tpu.memory_space<semaphore_mem>>) src(%dma_wait3A_15 : memref<632x128xf32, #tpu.memory_space<vmem_shared>>) dst(%dma_wait3A_13 : memref<632x128xf32, #tpu.memory_space<hbm>>)
      tpu.yield
    }) : () -> ()
    return
  }
}

module attributes {stable_mosaic.version = 14 : i64} {
  func.func @body(%arg0: memref<2x10112x128xf32, #tpu.memory_space<vmem>>, %arg1: memref<10000x128xf32, #tpu.memory_space<vmem>>, %arg2: memref<10000x8xf32, #tpu.memory_space<vmem>>, %arg3: memref<10112x128xf32, #tpu.memory_space<vmem>>) attributes {dimension_semantics = [], scalar_prefetch = 0 : i64, scratch_operands = 0 : i64, tpu.core_type = #tpu.core_type<tc>} {
    %get3A = arith.constant 0 : index
    %get3A_0 = arith.constant 0 : index
    %get3A_1 = arith.constant 0 : index
    %get3A_2 = vector.load %arg0[%get3A, %get3A_0, %get3A_1] : memref<2x10112x128xf32, #tpu.memory_space<vmem>>, vector<1x10000x1xf32>
    %get3A_3 = vector.shape_cast %get3A_2 : vector<1x10000x1xf32> to vector<10000x1xf32>
    %get3A_4 = arith.constant 1 : index
    %get3A_5 = arith.constant 0 : index
    %get3A_6 = arith.constant 0 : index
    %get3A_7 = vector.load %arg0[%get3A_4, %get3A_5, %get3A_6] : memref<2x10112x128xf32, #tpu.memory_space<vmem>>, vector<1x10000x1xf32>
    %get3A_8 = vector.shape_cast %get3A_7 : vector<1x10000x1xf32> to vector<10000x1xf32>
    %add3A = arith.addf %get3A_3, %get3A_8 : vector<10000x1xf32>
    %add3A_9 = arith.constant 1.000000e+00 : f32
    %add3A_10 = vector.broadcast %add3A_9 : f32 to vector<10000x1xf32>
    %add3A_11 = arith.addf %add3A, %add3A_10 : vector<10000x1xf32>
    %rsqrt3A = math.rsqrt %add3A_11 : vector<10000x1xf32>
    %broadcast_in_dim3A = vector.shape_cast %rsqrt3A : vector<10000x1xf32> to vector<10000x1xf32>
    %broadcast_in_dim3A_12 = vector.broadcast %broadcast_in_dim3A : vector<10000x1xf32> to vector<10000x8xf32>
    %swap3A = arith.constant 0 : index
    %swap3A_13 = arith.constant 0 : index
    %swap3A_14 = vector.load %arg2[%swap3A, %swap3A_13] : memref<10000x8xf32, #tpu.memory_space<vmem>>, vector<10000x8xf32>
    tpu.vector_store %arg2[%swap3A, %swap3A_13], %broadcast_in_dim3A_12 {strides = array<i32>} : memref<10000x8xf32, #tpu.memory_space<vmem>>, vector<10000x8xf32>,
    %get3A_15 = arith.constant 0 : index
    %get3A_16 = arith.constant 0 : index
    %get3A_17 = vector.load %arg1[%get3A_15, %get3A_16] : memref<10000x128xf32, #tpu.memory_space<vmem>>, vector<10000x128xf32>
    %mul3A = vector.broadcast %rsqrt3A : vector<10000x1xf32> to vector<10000x128xf32>
    %mul3A_18 = arith.mulf %get3A_17, %mul3A : vector<10000x128xf32>
    %swap3A_19 = arith.constant 0 : index
    %swap3A_20 = arith.constant 0 : index
    %swap3A_21 = vector.load %arg3[%swap3A_19, %swap3A_20] : memref<10112x128xf32, #tpu.memory_space<vmem>>, vector<10000x128xf32>
    tpu.vector_store %arg3[%swap3A_19, %swap3A_20], %mul3A_18 {strides = array<i32>} : memref<10112x128xf32, #tpu.memory_space<vmem>>, vector<10000x128xf32>,
    %broadcast_in_dim3A_22 = arith.constant 0.000000e+00 : f32
    %broadcast_in_dim3A_23 = vector.broadcast %broadcast_in_dim3A_22 : f32 to vector<112x128xf32>
    %swap3A_24 = arith.constant 10000 : index
    %swap3A_25 = arith.constant 0 : index
    %swap3A_26 = vector.load %arg3[%swap3A_24, %swap3A_25] : memref<10112x128xf32, #tpu.memory_space<vmem>>, vector<112x128xf32>
    tpu.vector_store %arg3[%swap3A_24, %swap3A_25], %broadcast_in_dim3A_23 {strides = array<i32>} : memref<10112x128xf32, #tpu.memory_space<vmem>>, vector<112x128xf32>,
    return
  }
}

module attributes {stable_mosaic.version = 14 : i64} {
  func.func @body(%arg0: memref<2x10112x128xf32, #tpu.memory_space<vmem>>, %arg1: memref<10112x128xf32, #tpu.memory_space<vmem>>, %arg2: memref<10000x8xf32, #tpu.memory_space<vmem>>, %arg3: memref<128x128xf32, #tpu.memory_space<vmem>>, %arg4: memref<10112x128xf32, #tpu.memory_space<vmem>>) attributes {dimension_semantics = [], scalar_prefetch = 0 : i64, scratch_operands = 0 : i64, tpu.core_type = #tpu.core_type<tc>} {
    %get3A = arith.constant 0 : index
    %get3A_0 = arith.constant 0 : index
    %get3A_1 = vector.load %arg2[%get3A, %get3A_0] : memref<10000x8xf32, #tpu.memory_space<vmem>>, vector<10000x1xf32>
    %get3A_2 = arith.constant 0 : index
    %get3A_3 = arith.constant 0 : index
    %get3A_4 = arith.constant 0 : index
    %get3A_5 = vector.load %arg0[%get3A_2, %get3A_3, %get3A_4] : memref<2x10112x128xf32, #tpu.memory_space<vmem>>, vector<1x10000x128xf32>
    %get3A_6 = vector.shape_cast %get3A_5 : vector<1x10000x128xf32> to vector<10000x128xf32>
    %get3A_7 = arith.constant 1 : index
    %get3A_8 = arith.constant 0 : index
    %get3A_9 = arith.constant 0 : index
    %get3A_10 = vector.load %arg0[%get3A_7, %get3A_8, %get3A_9] : memref<2x10112x128xf32, #tpu.memory_space<vmem>>, vector<1x10000x128xf32>
    %get3A_11 = vector.shape_cast %get3A_10 : vector<1x10000x128xf32> to vector<10000x128xf32>
    %add3A = arith.addf %get3A_6, %get3A_11 : vector<10000x128xf32>
    %get3A_12 = arith.constant 0 : index
    %get3A_13 = arith.constant 0 : index
    %get3A_14 = vector.load %arg1[%get3A_12, %get3A_13] : memref<10112x128xf32, #tpu.memory_space<vmem>>, vector<10000x128xf32>
    %add3A_15 = arith.addf %add3A, %get3A_14 : vector<10000x128xf32>
    %mul3A = vector.broadcast %get3A_1 : vector<10000x1xf32> to vector<10000x128xf32>
    %mul3A_16 = arith.mulf %mul3A, %add3A_15 : vector<10000x128xf32>
    %get3A_17 = arith.constant 0 : index
    %get3A_18 = arith.constant 0 : index
    %get3A_19 = vector.load %arg3[%get3A_17, %get3A_18] : memref<128x128xf32, #tpu.memory_space<vmem>>, vector<128x128xf32>
    %dot_general3A = arith.constant dense<0.000000e+00> : vector<10000x128xf32>
    %dot_general3A_20 = tpu.matmul %mul3A_16, %get3A_19, %dot_general3A {dimension_numbers = #tpu.dot_dimension_numbers<[1], [0], [0], [1], [0, 0, 1, 1], [], []>, transpose_lhs_hint = false} : vector<10000x128xf32>, vector<128x128xf32>, vector<10000x128xf32> -> vector<10000x128xf32>
    %max3A = arith.constant 0.000000e+00 : f32
    %max3A_21 = vector.broadcast %max3A : f32 to vector<10000x128xf32>
    %max3A_22 = arith.maximumf %dot_general3A_20, %max3A_21 : vector<10000x128xf32>
    %mul3A_23 = vector.broadcast %get3A_1 : vector<10000x1xf32> to vector<10000x128xf32>
    %mul3A_24 = arith.mulf %max3A_22, %mul3A_23 : vector<10000x128xf32>
    %swap3A = arith.constant 0 : index
    %swap3A_25 = arith.constant 0 : index
    %swap3A_26 = vector.load %arg4[%swap3A, %swap3A_25] : memref<10112x128xf32, #tpu.memory_space<vmem>>, vector<10000x128xf32>
    tpu.vector_store %arg4[%swap3A, %swap3A_25], %mul3A_24 {strides = array<i32>} : memref<10112x128xf32, #tpu.memory_space<vmem>>, vector<10000x128xf32>,
    %broadcast_in_dim3A = arith.constant 0.000000e+00 : f32
    %broadcast_in_dim3A_27 = vector.broadcast %broadcast_in_dim3A : f32 to vector<112x128xf32>
    %swap3A_28 = arith.constant 10000 : index
    %swap3A_29 = arith.constant 0 : index
    %swap3A_30 = vector.load %arg4[%swap3A_28, %swap3A_29] : memref<10112x128xf32, #tpu.memory_space<vmem>>, vector<112x128xf32>
    tpu.vector_store %arg4[%swap3A_28, %swap3A_29], %broadcast_in_dim3A_27 {strides = array<i32>} : memref<10112x128xf32, #tpu.memory_space<vmem>>, vector<112x128xf32>,
    return
  }
}

module attributes {stable_mosaic.version = 14 : i64} {
  func.func @body(%arg0: memref<2x10112x128xf32, #tpu.memory_space<vmem>>, %arg1: memref<10112x128xf32, #tpu.memory_space<vmem>>, %arg2: memref<10000x8xf32, #tpu.memory_space<vmem>>, %arg3: memref<128x64xf32, #tpu.memory_space<vmem>>, %arg4: memref<128x64xf32, #tpu.memory_space<vmem>>, %arg5: memref<128x64xf32, #tpu.memory_space<vmem>>, %arg6: memref<1x128xf32, #tpu.memory_space<vmem>>, %arg7: memref<128x64xf32, #tpu.memory_space<vmem>>, %arg8: memref<10000x64xf32, #tpu.memory_space<vmem>>, %arg9: memref<10000x64xf32, #tpu.memory_space<vmem>>, %arg10: memref<10000x128xf32, #tpu.memory_space<vmem>>) attributes {dimension_semantics = [], scalar_prefetch = 0 : i64, scratch_operands = 0 : i64, tpu.core_type = #tpu.core_type<tc>} {
    %get3A = arith.constant 0 : index
    %get3A_0 = arith.constant 0 : index
    %get3A_1 = vector.load %arg2[%get3A, %get3A_0] : memref<10000x8xf32, #tpu.memory_space<vmem>>, vector<10000x1xf32>
    %get3A_2 = arith.constant 0 : index
    %get3A_3 = arith.constant 0 : index
    %get3A_4 = arith.constant 0 : index
    %get3A_5 = vector.load %arg0[%get3A_2, %get3A_3, %get3A_4] : memref<2x10112x128xf32, #tpu.memory_space<vmem>>, vector<1x10000x128xf32>
    %get3A_6 = vector.shape_cast %get3A_5 : vector<1x10000x128xf32> to vector<10000x128xf32>
    %get3A_7 = arith.constant 1 : index
    %get3A_8 = arith.constant 0 : index
    %get3A_9 = arith.constant 0 : index
    %get3A_10 = vector.load %arg0[%get3A_7, %get3A_8, %get3A_9] : memref<2x10112x128xf32, #tpu.memory_space<vmem>>, vector<1x10000x128xf32>
    %get3A_11 = vector.shape_cast %get3A_10 : vector<1x10000x128xf32> to vector<10000x128xf32>
    %add3A = arith.addf %get3A_6, %get3A_11 : vector<10000x128xf32>
    %get3A_12 = arith.constant 0 : index
    %get3A_13 = arith.constant 0 : index
    %get3A_14 = vector.load %arg1[%get3A_12, %get3A_13] : memref<10112x128xf32, #tpu.memory_space<vmem>>, vector<10000x128xf32>
    %add3A_15 = arith.addf %add3A, %get3A_14 : vector<10000x128xf32>
    %mul3A = vector.broadcast %get3A_1 : vector<10000x1xf32> to vector<10000x128xf32>
    %mul3A_16 = arith.mulf %mul3A, %add3A_15 : vector<10000x128xf32>
    %get3A_17 = arith.constant 0 : index
    %get3A_18 = arith.constant 0 : index
    %get3A_19 = vector.load %arg3[%get3A_17, %get3A_18] : memref<128x64xf32, #tpu.memory_space<vmem>>, vector<128x64xf32>
    %dot_general3A = arith.constant dense<0.000000e+00> : vector<10000x64xf32>
    %dot_general3A_20 = tpu.matmul %mul3A_16, %get3A_19, %dot_general3A {dimension_numbers = #tpu.dot_dimension_numbers<[1], [0], [0], [1], [0, 0, 1, 1], [], []>, transpose_lhs_hint = false} : vector<10000x128xf32>, vector<128x64xf32>, vector<10000x64xf32> -> vector<10000x64xf32>
    %swap3A = arith.constant 0 : index
    %swap3A_21 = arith.constant 0 : index
    %swap3A_22 = vector.load %arg8[%swap3A, %swap3A_21] : memref<10000x64xf32, #tpu.memory_space<vmem>>, vector<10000x64xf32>
    tpu.vector_store %arg8[%swap3A, %swap3A_21], %dot_general3A_20 {strides = array<i32>} : memref<10000x64xf32, #tpu.memory_space<vmem>>, vector<10000x64xf32>,
    %get3A_23 = arith.constant 0 : index
    %get3A_24 = arith.constant 0 : index
    %get3A_25 = vector.load %arg4[%get3A_23, %get3A_24] : memref<128x64xf32, #tpu.memory_space<vmem>>, vector<128x64xf32>
    %dot_general3A_26 = arith.constant dense<0.000000e+00> : vector<10000x64xf32>
    %dot_general3A_27 = tpu.matmul %mul3A_16, %get3A_25, %dot_general3A_26 {dimension_numbers = #tpu.dot_dimension_numbers<[1], [0], [0], [1], [0, 0, 1, 1], [], []>, transpose_lhs_hint = false} : vector<10000x128xf32>, vector<128x64xf32>, vector<10000x64xf32> -> vector<10000x64xf32>
    %swap3A_28 = arith.constant 0 : index
    %swap3A_29 = arith.constant 0 : index
    %swap3A_30 = vector.load %arg9[%swap3A_28, %swap3A_29] : memref<10000x64xf32, #tpu.memory_space<vmem>>, vector<10000x64xf32>
    tpu.vector_store %arg9[%swap3A_28, %swap3A_29], %dot_general3A_27 {strides = array<i32>} : memref<10000x64xf32, #tpu.memory_space<vmem>>, vector<10000x64xf32>,
    %get3A_31 = arith.constant 0 : index
    %get3A_32 = arith.constant 0 : index
    %get3A_33 = vector.load %arg5[%get3A_31, %get3A_32] : memref<128x64xf32, #tpu.memory_space<vmem>>, vector<128x64xf32>
    %get3A_34 = arith.constant 0 : index
    %get3A_35 = arith.constant 0 : index
    %get3A_36 = vector.load %arg7[%get3A_34, %get3A_35] : memref<128x64xf32, #tpu.memory_space<vmem>>, vector<128x64xf32>
    %mul3A_37 = arith.mulf %get3A_33, %get3A_36 : vector<128x64xf32>
    %dot_general3A_38 = arith.constant dense<0.000000e+00> : vector<10000x128xf32>
    %dot_general3A_39 = tpu.matmul %dot_general3A_20, %mul3A_37, %dot_general3A_38 {dimension_numbers = #tpu.dot_dimension_numbers<[1], [1], [0], [0], [0, 0, 1, 0], [], []>, transpose_lhs_hint = false} : vector<10000x64xf32>, vector<128x64xf32>, vector<10000x128xf32> -> vector<10000x128xf32>
    %get3A_40 = arith.constant 0 : index
    %get3A_41 = arith.constant 0 : index
    %get3A_42 = vector.load %arg6[%get3A_40, %get3A_41] : memref<1x128xf32, #tpu.memory_space<vmem>>, vector<1x128xf32>
    %add3A_43 = vector.broadcast %get3A_42 : vector<1x128xf32> to vector<10000x128xf32>
    %add3A_44 = arith.addf %dot_general3A_39, %add3A_43 : vector<10000x128xf32>
    %reduce_max3A = arith.constant dense<0xFF800000> : vector<10000xf32>
    %reduce_max3A_45 = vector.multi_reduction <maximumf>, %add3A_44, %reduce_max3A [1] : vector<10000x128xf32> to vector<10000xf32>
    %broadcast_in_dim3A = vector.shape_cast %reduce_max3A_45 : vector<10000xf32> to vector<10000x1xf32>
    %sub3A = vector.broadcast %broadcast_in_dim3A : vector<10000x1xf32> to vector<10000x128xf32>
    %sub3A_46 = arith.subf %add3A_44, %sub3A : vector<10000x128xf32>
    %exp3A = math.exp %sub3A_46 : vector<10000x128xf32>
    %reduce_sum3A = arith.constant dense<0.000000e+00> : vector<10000xf32>
    %reduce_sum3A_47 = vector.multi_reduction <add>, %exp3A, %reduce_sum3A [1] : vector<10000x128xf32> to vector<10000xf32>
    %broadcast_in_dim3A_48 = vector.shape_cast %reduce_sum3A_47 : vector<10000xf32> to vector<10000x1xf32>
    %div3A = vector.broadcast %broadcast_in_dim3A_48 : vector<10000x1xf32> to vector<10000x128xf32>
    %div3A_49 = arith.divf %exp3A, %div3A : vector<10000x128xf32>
    %swap3A_50 = arith.constant 0 : index
    %swap3A_51 = arith.constant 0 : index
    %swap3A_52 = vector.load %arg10[%swap3A_50, %swap3A_51] : memref<10000x128xf32, #tpu.memory_space<vmem>>, vector<10000x128xf32>
    tpu.vector_store %arg10[%swap3A_50, %swap3A_51], %div3A_49 {strides = array<i32>} : memref<10000x128xf32, #tpu.memory_space<vmem>>, vector<10000x128xf32>,
    return
  }
}

module attributes {stable_mosaic.version = 14 : i64} {
  func.func @body(%arg0: i32, %arg1: i32, %arg2: memref<1024x64xf32, #tpu.memory_space<vmem>>, %arg3: memref<2048x64xf32, #tpu.memory_space<vmem>>, %arg4: memref<1024x2048xf32, #tpu.memory_space<vmem>>) attributes {dimension_semantics = [#tpu.dimension_semantics<arbitrary>, #tpu.dimension_semantics<arbitrary>], iteration_bounds = array<i64: 10, 5>, scalar_prefetch = 0 : i64, scratch_operands = 0 : i64, tpu.core_type = #tpu.core_type<tc>, window_params = [{transform_indices = @transform_0, window_bounds = array<i64: 1024, 64>}, {transform_indices = @transform_1, window_bounds = array<i64: 2048, 64>}, {transform_indices = @transform_2, window_bounds = array<i64: 1024, 2048>}]} {
    %get3A = arith.constant 0 : index
    %get3A_0 = arith.constant 0 : index
    %get3A_1 = vector.load %arg2[%get3A, %get3A_0] : memref<1024x64xf32, #tpu.memory_space<vmem>>, vector<1024x64xf32>
    %get3A_2 = arith.constant 0 : index
    %get3A_3 = arith.constant 0 : index
    %get3A_4 = vector.load %arg3[%get3A_2, %get3A_3] : memref<2048x64xf32, #tpu.memory_space<vmem>>, vector<2048x64xf32>
    %dot_general3A = arith.constant dense<0.000000e+00> : vector<1024x2048xf32>
    %dot_general3A_5 = tpu.matmul %get3A_1, %get3A_4, %dot_general3A {dimension_numbers = #tpu.dot_dimension_numbers<[1], [1], [0], [0], [0, 0, 1, 0], [], []>, transpose_lhs_hint = false} : vector<1024x64xf32>, vector<2048x64xf32>, vector<1024x2048xf32> -> vector<1024x2048xf32>
    %swap3A = arith.constant 0 : index
    %swap3A_6 = arith.constant 0 : index
    %swap3A_7 = vector.load %arg4[%swap3A, %swap3A_6] : memref<1024x2048xf32, #tpu.memory_space<vmem>>, vector<1024x2048xf32>
    tpu.vector_store %arg4[%swap3A, %swap3A_6], %dot_general3A_5 {strides = array<i32>} : memref<1024x2048xf32, #tpu.memory_space<vmem>>, vector<1024x2048xf32>,
    return
  }
  func.func @transform_0(%arg0: i32, %arg1: i32) -> (i32, i32) {
    %c0_i32 = arith.constant 0 : i32
    %c0_i32_0 = arith.constant 0 : i32
    return %arg0, %c0_i32 : i32, i32
  }
  func.func @transform_1(%arg0: i32, %arg1: i32) -> (i32, i32) {
    %c0_i32 = arith.constant 0 : i32
    %c0_i32_0 = arith.constant 0 : i32
    return %arg1, %c0_i32 : i32, i32
  }
  func.func @transform_2(%arg0: i32, %arg1: i32) -> (i32, i32) {
    %c0_i32 = arith.constant 0 : i32
    return %arg0, %arg1 : i32, i32
  }
}

</mosaic_0001>

<sc_bundles>
// kernel: kernel.12.cloned.1.call-start
scs
__scs_entry_jumppad:
0x0: {  	(pc) =	sbr.rel $0x88, $3  }
0x1: {  	(tag) =	ssettag $0x0;
	lr =	simm.s32 $0x1  }
0x2: {  	[smem:$0x3F99] =	sst lr;
	_ =	strace $0xD0000000  }
0x3: {  	_ = 	snop  }
0x4: {  	_ = 	snop  }
0x5: {  	_ = 	snop  }
0x6: {  	_ = 	snop  }
0x7: {  	_ = 	snop  }
__scs_overlays_trampoline_lowered:
0x8: {  	[smem:$0x3FA8] =	sst s0  }
0x9: {  	[smem:$0x3FA9] =	sst s1  }
0xa: {  	[smem:$0x3FAA] =	sst s2  }
0xb: {  	[smem:$0x3FAB] =	sst s3  }
0xc: {  	[smem:$0x3FAC] =	sst s4  }
0xd: {  	[smem:$0x3FAD] =	sst s5  }
0xe: {  	[smem:$0x3FAE] =	sst s6  }
0xf: {  	[smem:$0x3FAF] =	sst s7  }
0x10: {  	[smem:$0x3FB0] =	sst s8  }
0x11: {  	[smem:$0x3FB1] =	sst s9;
	s0 =	simm.s32 @!p0 $0x0  }
0x12: {  	s1 =	sld [smem:$0x3F97];
	s0 =	simm.s32 @p0 $0x1  }
0x13: {  	[smem:$0x3FB2] =	sst s0;
	s0 =	simm.s32 @!p1 $0x0  }
0x14: {  	s2 =	sld [smem:$0x3F96];
	s0 =	simm.s32 @p1 $0x1  }
0x15: {  	[smem:$0x3FB3] =	sst s0;
	s0 =	simm.s32 @!p2 $0x0  }
0x16: {  	s3 =	sld [smem:$0x3FDB];
	s0 =	simm.s32 @p2 $0x1  }
0x17: {  	s4 =	simm.s32 $0x1BF5;
	[smem:$0x3FB5] =	sst s0  }
0x18: {  	s0 =	sld [smem:$0x3F98];
	_ =	swait.ge [sflag:s4], $0x0  }
0x19: {  	s7 =	sld [smem:$0x3F99]  }
0x1a: {  	s8 =	sadd.s32 $0xFFFFE003, lr  }
0x1b: {  	s9 =	sadd.s32 $0xFFFFFEF7, lr;
	s5 =	simm.s32 $0xFFFFFFFF;
	p2 =	slt.u32 s8, $0xFFFFF086  }
0x1c: {  	p1 =	slt.u32 s9, $0xF7A;
	s5 =	simm.s32 @!p2 $0x0  }
0x1d: {  	s5 =	simm.s32 @p1 $0x1;
	p0 =	seq.s32 s7, s2  }
0x1e: {  	s7 =	smul.u32 @!p0 $0xF7A, s2;
	p2 =	seq.s32 @!p0 s5, $0x0  }
0x1f: {  	s9 =	smul.u32 $0xF7A, s1;
	s8 =	simm.s32 @!p0 $0x1BF5;
	p2 =	por !p2, p0  }
0x20: {  	[sflag:s8] =	ssyncset.s32 @!p0 $0xFFFFF086;
	s6 =	sadd.s32 @!p0 s3, s7;
	s7 =	simm.s32 @!p0 $0x108  }
0x21: {  	s3 =	sadd.s32 s3, s9;
	s6 =	sadd.s32 @!p0 $0x88, s6;
	s7 =	simm.s32 @p2 $0x1082  }
0x22: {  	[simem:s7], [sflag:s8] =	dma.local @!p0 [hbm:s6], $0xF7A  }
0x23: {  	s9 =	sor.u32 $0xD0000000, s2;
	s6 =	simm.s32 $0x108;
	_ =	swait.ge @!p0 [sflag:s8], $0x0  }
0x24: {  	s3 =	sadd.s32 $0x88, s3;
	s6 =	simm.s32 @!p1 $0x1082;
	[sflag:s4] =	ssyncset.s32 $0xFFFFF086  }
0x25: {  	[simem:s6], [sflag:s4] =	dma.local [hbm:s3], $0xF7A  }
0x26: {  	[smem:$0x3F99] =	sst s1;
	(tag) =	ssettag s2;
	_ =	strace s9  }
0x27: {  	s1 =	sld [smem:$0x3FA9]  }
0x28: {  	s2 =	sld [smem:$0x3FAA]  }
0x29: {  	s4 =	sld [smem:$0x3FAC]  }
0x2a: {  	p0 =	seq.s32 s5, $0x0;
	s5 =	sld [smem:$0x3FAD]  }
0x2b: {  	s6 =	sld [smem:$0x3FAE]  }
0x2c: {  	s7 =	sld [smem:$0x3FAF]  }
0x2d: {  	s3 =	simm.s32 $0x108;
	s8 =	sld [smem:$0x3FB0]  }
0x2e: {  	s3 =	simm.s32 @!p0 $0x1082;
	s9 =	sld [smem:$0x3FB1]  }
0x2f: {  	lr =	sadd.s32 s0, s3;
	s0 =	sld [smem:$0x3FA8]  }
0x30: {  	s3 =	sld [smem:$0x3FAB]  }
0x31: {  	[smem:$0x3FB4] =	sst s10  }
0x32: {  	s10 =	sld [smem:$0x3FB2];
	_ =	sdelay $0x3  }
0x33: {  	p0 =	seq.s32 s10, $0x1;
	s10 =	sld [smem:$0x3FB4];
	_ =	sdelay $0x3  }
0x34: {  	[smem:$0x3FB4] =	sst s10  }
0x35: {  	s10 =	sld [smem:$0x3FB3];
	_ =	sdelay $0x3  }
0x36: {  	p1 =	seq.s32 s10, $0x1;
	s10 =	sld [smem:$0x3FB4];
	_ =	sdelay $0x3  }
0x37: {  	[smem:$0x3FB4] =	sst s10  }
0x38: {  	s10 =	sld [smem:$0x3FB5]  }
0x39: {  	_ = 	snop;
	(pc) =	sbr.ind lr, $3  }
0x3a: {  	_ = 	snop  }
0x3b: {  	_ = 	snop  }
0x3c: {  	p2 =	seq.s32 s10, $0x1;
	s10 =	sld [smem:$0x3FB4]  }
0x3d: {  	_ =	shalt  }
0x3e: {  	_ =	shalt  }
0x3f: {  	_ =	shalt  }
0x40: {  	_ =	shalt  }
0x41: {  	_ =	shalt  }
0x42: {  	_ =	shalt  }
0x43: {  	_ =	shalt  }
0x44: {  	_ =	shalt  }
0x45: {  	_ =	shalt  }
0x46: {  	_ =	shalt  }
0x47: {  	_ =	shalt  }
0x48: {  	_ =	shalt  }
0x49: {  	_ =	shalt  }
0x4a: {  	_ =	shalt  }
0x4b: {  	_ =	shalt  }
0x4c: {  	_ =	shalt  }
0x4d: {  	_ =	shalt  }
0x4e: {  	_ =	shalt  }
0x4f: {  	_ =	shalt  }
0x50: {  	_ =	shalt  }
0x51: {  	_ =	shalt  }
0x52: {  	_ =	shalt  }
0x53: {  	_ =	shalt  }
0x54: {  	_ =	shalt  }
0x55: {  	_ =	shalt  }
0x56: {  	_ =	shalt  }
0x57: {  	_ =	shalt  }
0x58: {  	_ =	shalt  }
0x59: {  	_ =	shalt  }
0x5a: {  	_ =	shalt  }
0x5b: {  	_ =	shalt  }
0x5c: {  	_ =	shalt  }
0x5d: {  	_ =	shalt  }
0x5e: {  	_ =	shalt  }
0x5f: {  	_ =	shalt  }
0x60: {  	_ =	shalt  }
0x61: {  	_ =	shalt  }
0x62: {  	_ =	shalt  }
0x63: {  	_ =	shalt  }
0x64: {  	_ =	shalt  }
0x65: {  	_ =	shalt  }
0x66: {  	_ =	shalt  }
0x67: {  	_ =	shalt  }
0x68: {  	_ =	shalt  }
0x69: {  	_ =	shalt  }
0x6a: {  	_ =	shalt  }
0x6b: {  	_ =	shalt  }
0x6c: {  	_ =	shalt  }
0x6d: {  	_ =	shalt  }
0x6e: {  	_ =	shalt  }
0x6f: {  	_ =	shalt  }
0x70: {  	_ =	shalt  }
0x71: {  	_ =	shalt  }
0x72: {  	_ =	shalt  }
0x73: {  	_ =	shalt  }
0x74: {  	_ =	shalt  }
0x75: {  	_ =	shalt  }
0x76: {  	_ =	shalt  }
0x77: {  	_ =	shalt  }
0x78: {  	_ =	shalt  }
0x79: {  	_ =	shalt  }
0x7a: {  	_ =	shalt  }
0x7b: {  	_ =	shalt  }
0x7c: {  	_ =	shalt  }
0x7d: {  	_ =	shalt  }
0x7e: {  	_ =	shalt  }
0x7f: {  	_ =	shalt  }
0x80: {  	_ =	shalt  }
0x81: {  	_ =	shalt  }
0x82: {  	_ =	shalt  }
0x83: {  	_ =	shalt  }
0x84: {  	_ =	shalt  }
0x85: {  	_ =	shalt  }
0x86: {  	_ =	shalt  }
0x87: {  	_ =	shalt  }
.Lfunc_end0:
.L_simem_size_0:
called_computation.1_lowered:
.L_overlay_start_0:
0x88: {  	s2 =	sld [smem:$0x3FD9]  }
0x89: {  	s3 =	sld [smem:$0x3FFE];
	_ =	sdelay $0x1  }
0x8a: {  	s1 =	srdreg.scid  }
0x8b: {  	s0 =	sand.u32 $0x1, s1  }
0x8c: {  	s14 =	sshll.u32 s0, $0xA;
	s2 =	sadd.s32 s3, s2  }
0x8d: {  	s2 =	sadd.s32 s2, s14  }
0x8e: {  	[smem:$0x3FC0] =	sst s2  }
0x8f: {  	_ = 	snop  }
0x90: {  	s2 =	sld [smem:$0x3FD0];
	_ =	sdelay $0x2  }
0x91: {  	s15 =	simm.s32 $0xA;
	s4 =	simm.s32 $0x10  }
0x92: {  	[smem:s4], [sflag:s15] =	dma.local [hbm:s2], $0x1  }
0x93: {  	_ =	swait.eq [sflag:s15], $0x1  }
0x94: {  	s16 =	sld [smem:$0x10];
	[sflag:s15] =	ssyncset.done $0x0  }
0x95: {  	s17 =	sld [smem:$0x11];
	[sflag:s15] =	ssyncadd.s32 $0xFFFFFFFF  }
0x96: {  	s18 =	sld [smem:$0x12];
	(tm) =	ssettm $0x1  }
0x97: {  	s5 =	sld [smem:$0x3FFB];
	_ =	sdelay $0x3  }
0x98: {  	_ =	strace s5  }
0x99: {  	s5 =	sld [smem:$0x3FFC];
	_ =	sdelay $0x3  }
0x9a: {  	_ =	strace s5  }
0x9b: {  	s5 =	sld [smem:$0x3FFD];
	_ =	sdelay $0x3  }
0x9c: {  	_ =	strace s5  }
0x9d: {  	_ =	strace $0x8FFFFFFF  }
0x9e: {  	s19 =	sld [smem:$0x3FDB];
	_ =	sdelay $0x1  }
0x9f: {  	s6 =	simm.s32 $_scs_section_size  }
0xa0: {  	s7 =	simm.s32 $_size__tile_overlayer_lowered;
	s8 =	simm.s32 $_tile_overlayer_lowered  }
0xa1: {  	s22 =	simm.s32 $0x1BFF;
	s21 =	sshll.u32 s8, $0x1;
	s5 =	sadd.s32 s6, s19  }
0xa2: {  	s9 =	simm.s32 $0x0;
	s20 =	sshll.u32 s7, $0x1;
	s7 =	sadd.s32 s21, s5  }
0xa3: {  	[timem:s9], [sflag:s22] =	dma.local [hbm:s7], s20  }
0xa4: {  	_ =	swait.ge [sflag:s22], s20  }
0xa5: {  	s6 =	ssub.s32 $0x0, s20;
	[sflag:s22] =	ssyncset.done $0x0  }
0xa6: {  	[sflag:s22] =	ssyncadd.s32 s6;
	_ =	sdelay $0x1  }
0xa7: {  	s23 =	simm.s32 $0x1B8B  }
0xa8: {  	_ =	swait.ge [sflag:s23], $0x1  }
0xa9: {  	[sflag:s23] =	ssyncset.done $0x0  }
0xaa: {  	s25 =	simm.s32 $0x1B8E;
	s24 =	sld [smem:$0x3FFE];
	[sflag:s23] =	ssyncadd.s32 $0xFFFFFFFF  }
0xab: {  	s26 =	simm.s32 $execute0_lowered;
	[smem:$0x3FD2] =	sst s25  }
0xac: {  	s7 =	sshll.u32 s26, $0x1;
	_ =	strace $0x80000049;
	[dreg:$0x1] =	wrdreg $0xFFFFFFFF  }
0xad: {  	s28 =	simm.s32 $_size_execute0_lowered;
	s5 =	sadd.s32 s5, s7;
	[dreg:$0x0] =	wrdreg $0x0  }
0xae: {  	s7 =	sshll.u32 s28, $0x1;
	[dreg:$0x2] =	wrdreg s5  }
0xaf: {  	[dreg:$0x3] =	wrdreg s7  }
0xb0: {  	[dreg:$0x4] =	wrdreg $0xC0  }
0xb1: {  	_ =	task [dreg:s9], $0x5FFFF  }
0xb2: {  	[dreg:$0x1] =	wrdreg $0xFFFFFFFF  }
0xb3: {  	[dreg:$0x0] =	wrdreg $0x60  }
0xb4: {  	[dreg:$0x2] =	wrdreg s24  }
0xb5: {  	[dreg:$0x3] =	wrdreg s18  }
0xb6: {  	[dreg:$0x4] =	wrdreg s17  }
0xb7: {  	[dreg:$0x5] =	wrdreg s16  }
0xb8: {  	[dreg:$0x6] =	wrdreg $0x82000  }
0xb9: {  	[dreg:$0x7] =	wrdreg $0x9  }
0xba: {  	_ =	task.clear_ibuf [dreg:s9], $0x8FFFF;
	_ =	strace $0x90000049  }
0xbb: {  	s29 =	simm.s32 $0x9;
	_ =	strace $0x8000004B  }
0xbc: {  	_ =	swait.ge [sflag:s29], $0x1  }
0xbd: {  	[sflag:s29] =	ssyncadd.s32 $0xFFFFFFFF  }
0xbe: {  	_ =	strace $0x9000004B  }
0xbf: {  	_ =	sfence  }
0xc0: {  	s30 =	sld [smem:$0x0];
	_ =	sdelay $0x2  }
0xc1: {  	s31 =	sshll.u32 s1, $0xD;
	s1 =	sshrl.u32 s1, $0x2  }
0xc2: {  	s3 =	sand.u32 $0x4000, s31;
	s1 =	sadd.s32 s1, s30  }
0xc3: {  	s0 =	sor.u32 s3, s0;
	s1 =	sshll.u32 s1, $0x11  }
0xc4: {  	s0 =	sor.u32 s1, s0  }
0xc5: {  	s0 =	sadd.s32 $0x8F2B, s0  }
0xc6: {  	[sflag:s0] =	ssyncadd.remote.s32 $0x1  }
0xc7: {  	_ =	sfence.sel $0xFFFF  }
0xc8: {  	[dreg:$0x0] =	wrdreg $0xFFFFFFFF;
	(pc) =	sbr.abs _section_cstart, $3  }
0xc9: {  	[dreg:$0x1] =	wrdreg $0xFFFFFFFF  }
0xca: {  	_ =	task.clear_ibuf [dreg:s9], $0x2FFFF;
	_ =	strace $0x9FFFFFFF  }
0xcb: {  	(tm) =	ssettm $0x7FFFFFFF  }
tec
execute0_lowered:
.L_overlay_start_1:
0x0: {  	(tag) =	ssettag $0x1  }
0x1: {  	s5 =	rddreg [dreg:$0x0]  }
0x2: {  	s11 =	rddreg [dreg:$0x1]  }
0x3: {  	s12 =	rddreg [dreg:$0x2]  }
0x4: {  	s7 =	rddreg [dreg:$0x3]  }
0x5: {  	s2 =	rddreg [dreg:$0x4]  }
0x6: {  	s0 =	rddreg [dreg:$0x5];
	s3 =	simm.s32 $0x0  }
0x7: {  	s1 =	stileid.u32;
	s8 =	srdreg.scid;
	s17 =	simm.s32 $0x180  }
0x8: {  	s18 =	simm.s32 $0x3;
	s19 =	simm.s32 $0x200;
	s20 =	simm.s32 $0x4200  }
0x9: {  	s21 =	simm.s32 $0x1;
	s22 =	simm.s32 $0x2;
	s6 =	smul.u32 $0x13C00, s1  }
0xa: {  	s23 =	simm.s32 $0x4;
	s24 =	simm.s32 $0x0;
	s25 =	smul.u32 $0x4F000, s1  }
0xb: {  	[smem:$0x7FF] =	sst s3;
	s4 =	sadd.s32 $0x2AA00, s5;
	s30 =	smul.u32 $0x330, s1  }
0xc: {  	s13 =	sand.u32 $0x1, s8;
	s28 =	sshll.u32 s1, $0x6;
	s16 =	smul.u32 $0x6A0, s1  }
0xd: {  	_ =	strace $0x8000004A;
	s10 =	ssub.s32 $0x2, s13;
	s14 =	smul.u32 $0x13C000, s13  }
0xe: {  	p0 =	sne.s32 s13, $0x0;
	s9 =	sshrl.u32 s6, $0x3;
	s26 =	sshrl.u32 s10, $0x1  }
0xf: {  	s8 =	sshrl.u32 s25, $0x2;
	s31 =	sadd.s32 s30, s12;
	s12 =	sadd.s32 s16, s12  }
0x10: {  	s5 =	sadd.s32 s9, s5;
	s9 =	ssub.s32 s10, s26;
	s15 =	sadd.s32 s8, s2  }
.Ltmp0:
0x11: {  	s6 =	sadd.s32 s6, s14;
	s14 =	sadd.s32 s30, s11;
	(pc) =	sbr.rel .LBB2_1-.Ltmp0, $4  }
0x12: {  	s11 =	sadd.s32 s16, s11;
	s16 =	simm.s32 $0x100;
	s29 =	sshrl.u32 s6, $0x3  }
0x13: {  	s5 =	sadd.s32 $0x3200, s5;
	s6 =	sor.u32 $0x1C05, s28;
	s8 =	smax.u32 s9, $0x1  }
0x14: {  	s9 =	sadd.s32 $0x6A00, s31;
	s10 =	sadd.s32 $0x6A00, s14;
	s13 =	sshrl.u32 s15, $0x3  }
0x15: {  	s14 =	simm.s32 $0x5;
	s15 =	simm.s32 $0x80;
	s7 =	sadd.s32 s7, s29  }
.LBB2_7:
0x16: {  	s26 =	sadd.s32 s25, s10;
	[sflag:s14] =	ssyncadd.s32 $0xFFFFC000  }
0x17: {  	[tilespmem:s3], [sflag:$0x5] =	stream.linear.gather [hbm4b:s26+s3], $0x80, $0x38;
	[tilespmem:$0x1BE00] =	vst v63  }
0x18: {  	_ =	swait.ge [sflag:s14], $0x80  }
0x19: {  	[sflag:s14] =	ssyncset.done $0x0  }
0x1a: {  	s31 =	sadd.s32 s25, s9;
	[sflag:s14] =	ssyncadd.s32 $0xFFFFFF80  }
0x1b: {  	[tilespmem:s16], [sflag:$0x5] =	stream.linear.gather [hbm4b:s31+s3], $0x80, $0x38;
	[tilespmem:$0x1BE00] =	vst v63  }
0x1c: {  	_ =	swait.ge [sflag:s14], $0x80  }
0x1d: {  	[sflag:s14] =	ssyncset.done $0x0  }
0x1e: {  	[sflag:s14] =	ssyncadd.s32 $0xFFFFFF80  }
0x1f: {  	[tilespmem:s19], [sflag:$0x1] =	stream.indirect.gather [hbm4b:s4+s15], $0x80, s3, s15, $0xb8;
	[tilespmem:$0x1BE00] =	vst v63  }
0x20: {  	_ =	swait.ge [sflag:s21], $0x4000  }
0x21: {  	[sflag:s21] =	ssyncset.done $0x0  }
0x22: {  	[sflag:s21] =	ssyncadd.s32 $0xFFFFC000  }
0x23: {  	[spmem:s2] =	stream.indirect.scatter.add.f32 [tilespmem:s19], [sflag:$0x5], $0x80, s16, s15, $0xb8;
	[tilespmem:$0x1BE00] =	vst v63  }
0x24: {  	_ =	swait.ge [sflag:s14], $0x4000  }
0x25: {  	[sflag:s14] =	ssyncset.done $0x0  }
0x26: {  	[sflag:s14] =	ssyncadd.s32 $0xFFFFC000  }
.LBB2_8:
0x27: {  	s24 =	sadd.s32 $0x1, s24  }
0x28: {  	p1 =	sne.s32 s24, s8  }
.Ltmp1:
0x29: {  	[bflag:$0x0] =	sbarrier.arrive $0xFFFF;
	(pc) =	sbr.rel @!p1 .LBB2_9-.Ltmp1, $4  }
0x2a: {  	[hbm:s7], [sflag:s6] =	dma.local [spmem:s13], $0x2780  }
0x2b: {  	_ =	swait.ge [sflag:s14], $0x2780  }
0x2c: {  	[sflag:s14] =	ssyncset.done $0x0  }
0x2d: {  	[sflag:s14] =	ssyncadd.s32 $0xFFFFD880  }
.LBB2_1:
0x2e: {  	[spmem:s13], [sflag:s6] =	dma.local [hbm:s5], $0x2780  }
.Ltmp2:
0x2f: {  	_ =	swait.ge [sflag:s14], $0x2780;
	(pc) =	sbr.rel @p0 .LBB2_5-.Ltmp2, $3  }
0x30: {  	[sflag:s14] =	ssyncset.done $0x0  }
0x31: {  	[sflag:s14] =	ssyncadd.s32 $0xFFFFD880  }
0x32: {  	[bflag:$0x0] =	sbarrier.arrive $0xFFFF;
	_ =	sdelay $0x1  }
0x33: {  	s25 =	sadd.s32 $0x0, s11  }
0x34: {  	[tilespmem:s3], [sflag:$0x3] =	stream.linear.gather [hbm4b:s25+s3], $0x80, $0x38;
	[tilespmem:$0x1BE00] =	vst v63  }
0x35: {  	s25 =	sadd.s32 $0x10, s25  }
0x36: {  	[tilespmem:s15], [sflag:$0x3] =	stream.linear.gather [hbm4b:s25+s3], $0x80, $0x38;
	[tilespmem:$0x1BE00] =	vst v63  }
0x37: {  	s31 =	sadd.s32 $0x0, s12  }
0x38: {  	[tilespmem:s16], [sflag:$0x3] =	stream.linear.gather [hbm4b:s31+s3], $0x80, $0x38;
	[tilespmem:$0x1BE00] =	vst v63  }
0x39: {  	s25 =	sadd.s32 $0x10, s31  }
0x3a: {  	[tilespmem:s17], [sflag:$0x3] =	stream.linear.gather [hbm4b:s25+s3], $0x80, $0x38;
	[tilespmem:$0x1BE00] =	vst v63  }
0x3b: {  	_ =	swait.ge [sflag:s18], $0x80  }
0x3c: {  	[sflag:s18] =	ssyncset.done $0x0  }
0x3d: {  	[sflag:s18] =	ssyncadd.s32 $0xFFFFFF80  }
0x3e: {  	_ =	swait.ge [sflag:s18], $0x80  }
0x3f: {  	[sflag:s18] =	ssyncset.done $0x0  }
0x40: {  	[sflag:s18] =	ssyncadd.s32 $0xFFFFFF80  }
0x41: {  	_ =	swait.ge [sflag:s18], $0x80  }
0x42: {  	[sflag:s18] =	ssyncset.done $0x0  }
0x43: {  	[sflag:s18] =	ssyncadd.s32 $0xFFFFFF80  }
0x44: {  	_ =	swait.ge [sflag:s18], $0x80  }
0x45: {  	[sflag:s18] =	ssyncset.done $0x0  }
0x46: {  	[sflag:s18] =	ssyncadd.s32 $0xFFFFFF80  }
0x47: {  	[tilespmem:s19], [sflag:$0x1] =	stream.indirect.gather [hbm4b:s4+s15], $0x80, s3, s15, $0xb8;
	[tilespmem:$0x1BE00] =	vst v63  }
0x48: {  	_ = 	snop  }
0x49: {  	[tilespmem:s20], [sflag:$0x2] =	stream.indirect.gather [hbm4b:s4+s15], $0x80, s15, s15, $0xb8;
	[tilespmem:$0x1BE00] =	vst v63  }
0x4a: {  	_ =	swait.ge [sflag:s21], $0x4000  }
0x4b: {  	[sflag:s21] =	ssyncset.done $0x0  }
0x4c: {  	[sflag:s21] =	ssyncadd.s32 $0xFFFFC000  }
0x4d: {  	[spmem:s2] =	stream.indirect.scatter.add.f32 [tilespmem:s19], [sflag:$0x4], $0x80, s16, s15, $0xb8;
	[tilespmem:$0x1BE00] =	vst v63  }
0x4e: {  	_ =	swait.ge [sflag:s22], $0x4000  }
0x4f: {  	[sflag:s22] =	ssyncset.done $0x0  }
0x50: {  	[sflag:s22] =	ssyncadd.s32 $0xFFFFC000  }
0x51: {  	[spmem:s2] =	stream.indirect.scatter.add.f32 [tilespmem:s20], [sflag:$0x4], $0x80, s17, s15, $0xb8;
	[tilespmem:$0x1BE00] =	vst v63  }
0x52: {  	_ =	swait.ge [sflag:s23], $0x4000  }
0x53: {  	[sflag:s23] =	ssyncset.done $0x0  }
0x54: {  	[sflag:s23] =	ssyncadd.s32 $0xFFFFC000  }
0x55: {  	_ =	swait.ge [sflag:s23], $0x4000  }
0x56: {  	s28 =	simm.s32 $0x40;
	s25 =	simm.s32 $0x20;
	[sflag:s23] =	ssyncset.done $0x0  }
.LBB2_3:
0x57: {  	s29 =	sadd.s32 s25, s11  }
0x58: {  	[sflag:s23] =	ssyncadd.s32 $0xFFFFC000;
	s30 =	smov.u32 s28;
	s26 =	sadd.s32 $0x20, s28  }
0x59: {  	[tilespmem:s3], [sflag:$0x3] =	stream.linear.gather [hbm4b:s29+s3], $0x80, $0x38;
	[tilespmem:$0x1BE00] =	vst v63  }
0x5a: {  	p1 =	seq.s32 s28, $0x680;
	s28 =	sadd.s32 $0x10, s29  }
0x5b: {  	[tilespmem:s15], [sflag:$0x3] =	stream.linear.gather [hbm4b:s28+s3], $0x80, $0x38;
	[tilespmem:$0x1BE00] =	vst v63  }
0x5c: {  	s28 =	sadd.s32 s25, s12;
	s25 =	smov.u32 s30  }
0x5d: {  	[tilespmem:s16], [sflag:$0x3] =	stream.linear.gather [hbm4b:s28+s3], $0x80, $0x38;
	[tilespmem:$0x1BE00] =	vst v63  }
0x5e: {  	s28 =	sadd.s32 $0x10, s28  }
0x5f: {  	[tilespmem:s17], [sflag:$0x3] =	stream.linear.gather [hbm4b:s28+s3], $0x80, $0x38;
	[tilespmem:$0x1BE00] =	vst v63  }
0x60: {  	_ =	swait.ge [sflag:s18], $0x80  }
0x61: {  	[sflag:s18] =	ssyncset.done $0x0  }
0x62: {  	[sflag:s18] =	ssyncadd.s32 $0xFFFFFF80  }
0x63: {  	_ =	swait.ge [sflag:s18], $0x80  }
0x64: {  	[sflag:s18] =	ssyncset.done $0x0  }
0x65: {  	[sflag:s18] =	ssyncadd.s32 $0xFFFFFF80  }
0x66: {  	_ =	swait.ge [sflag:s18], $0x80  }
0x67: {  	[sflag:s18] =	ssyncset.done $0x0  }
0x68: {  	[sflag:s18] =	ssyncadd.s32 $0xFFFFFF80  }
0x69: {  	_ =	swait.ge [sflag:s18], $0x80  }
0x6a: {  	[sflag:s18] =	ssyncset.done $0x0  }
0x6b: {  	[sflag:s18] =	ssyncadd.s32 $0xFFFFFF80  }
0x6c: {  	[tilespmem:s19], [sflag:$0x1] =	stream.indirect.gather [hbm4b:s4+s15], $0x80, s3, s15, $0xb8;
	[tilespmem:$0x1BE00] =	vst v63  }
0x6d: {  	_ = 	snop  }
0x6e: {  	[tilespmem:s20], [sflag:$0x2] =	stream.indirect.gather [hbm4b:s4+s15], $0x80, s15, s15, $0xb8;
	[tilespmem:$0x1BE00] =	vst v63  }
0x6f: {  	_ =	swait.ge [sflag:s21], $0x4000  }
0x70: {  	[sflag:s21] =	ssyncset.done $0x0  }
0x71: {  	[sflag:s21] =	ssyncadd.s32 $0xFFFFC000  }
0x72: {  	[spmem:s2] =	stream.indirect.scatter.add.f32 [tilespmem:s19], [sflag:$0x4], $0x80, s16, s15, $0xb8;
	[tilespmem:$0x1BE00] =	vst v63  }
0x73: {  	_ =	swait.ge [sflag:s22], $0x4000  }
0x74: {  	[sflag:s22] =	ssyncset.done $0x0  }
0x75: {  	[sflag:s22] =	ssyncadd.s32 $0xFFFFC000  }
0x76: {  	[spmem:s2] =	stream.indirect.scatter.add.f32 [tilespmem:s20], [sflag:$0x4], $0x80, s17, s15, $0xb8;
	[tilespmem:$0x1BE00] =	vst v63  }
.Ltmp3:
0x77: {  	_ =	swait.ge [sflag:s23], $0x4000;
	(pc) =	sbr.rel @!p1 .LBB2_3-.Ltmp3, $4  }
0x78: {  	[sflag:s23] =	ssyncset.done $0x0  }
0x79: {  	[sflag:s23] =	ssyncadd.s32 $0xFFFFC000  }
0x7a: {  	_ =	swait.ge [sflag:s23], $0x4000  }
0x7b: {  	s28 =	smov.u32 s26;
	[sflag:s23] =	ssyncset.done $0x0  }
0x7c: {  	s26 =	sadd.s32 s25, s11;
	[sflag:s23] =	ssyncadd.s32 $0xFFFFC000  }
0x7d: {  	[tilespmem:s3], [sflag:$0x3] =	stream.linear.gather [hbm4b:s26+s3], $0x80, $0x38;
	[tilespmem:$0x1BE00] =	vst v63  }
0x7e: {  	s26 =	sadd.s32 $0x10, s26  }
0x7f: {  	[tilespmem:s15], [sflag:$0x3] =	stream.linear.gather [hbm4b:s26+s3], $0x80, $0x38;
	[tilespmem:$0x1BE00] =	vst v63  }
0x80: {  	s31 =	sadd.s32 s25, s12  }
0x81: {  	[tilespmem:s16], [sflag:$0x3] =	stream.linear.gather [hbm4b:s31+s3], $0x80, $0x38;
	[tilespmem:$0x1BE00] =	vst v63  }
0x82: {  	s25 =	sadd.s32 $0x10, s31  }
0x83: {  	[tilespmem:s17], [sflag:$0x3] =	stream.linear.gather [hbm4b:s25+s3], $0x80, $0x38;
	[tilespmem:$0x1BE00] =	vst v63  }
0x84: {  	_ =	swait.ge [sflag:s18], $0x80  }
0x85: {  	[sflag:s18] =	ssyncset.done $0x0  }
0x86: {  	[sflag:s18] =	ssyncadd.s32 $0xFFFFFF80  }
0x87: {  	_ =	swait.ge [sflag:s18], $0x80  }
0x88: {  	[sflag:s18] =	ssyncset.done $0x0  }
0x89: {  	[sflag:s18] =	ssyncadd.s32 $0xFFFFFF80  }
0x8a: {  	_ =	swait.ge [sflag:s18], $0x80  }
0x8b: {  	[sflag:s18] =	ssyncset.done $0x0  }
0x8c: {  	[sflag:s18] =	ssyncadd.s32 $0xFFFFFF80  }
0x8d: {  	_ =	swait.ge [sflag:s18], $0x80  }
0x8e: {  	[sflag:s18] =	ssyncset.done $0x0  }
0x8f: {  	[sflag:s18] =	ssyncadd.s32 $0xFFFFFF80  }
0x90: {  	[tilespmem:s19], [sflag:$0x1] =	stream.indirect.gather [hbm4b:s4+s15], $0x80, s3, s15, $0xb8;
	[tilespmem:$0x1BE00] =	vst v63  }
0x91: {  	_ = 	snop  }
0x92: {  	[tilespmem:s20], [sflag:$0x2] =	stream.indirect.gather [hbm4b:s4+s15], $0x80, s15, s15, $0xb8;
	[tilespmem:$0x1BE00] =	vst v63  }
0x93: {  	_ =	swait.ge [sflag:s21], $0x4000  }
0x94: {  	[sflag:s21] =	ssyncset.done $0x0  }
0x95: {  	[sflag:s21] =	ssyncadd.s32 $0xFFFFC000  }
0x96: {  	[spmem:s2] =	stream.indirect.scatter.add.f32 [tilespmem:s19], [sflag:$0x4], $0x80, s16, s15, $0xb8;
	[tilespmem:$0x1BE00] =	vst v63  }
0x97: {  	_ =	swait.ge [sflag:s22], $0x4000  }
0x98: {  	[sflag:s22] =	ssyncset.done $0x0  }
0x99: {  	[sflag:s22] =	ssyncadd.s32 $0xFFFFC000  }
0x9a: {  	[spmem:s2] =	stream.indirect.scatter.add.f32 [tilespmem:s20], [sflag:$0x4], $0x80, s17, s15, $0xb8;
	[tilespmem:$0x1BE00] =	vst v63  }
0x9b: {  	_ =	swait.ge [sflag:s23], $0x4000  }
.Ltmp4:
0x9c: {  	[sflag:s23] =	ssyncset.done $0x0;
	(pc) =	sbr.rel .LBB2_8-.Ltmp4, $4  }
0x9d: {  	[sflag:s23] =	ssyncadd.s32 $0xFFFFC000  }
0x9e: {  	_ =	swait.ge [sflag:s23], $0x4000  }
0x9f: {  	[sflag:s23] =	ssyncset.done $0x0  }
0xa0: {  	[sflag:s23] =	ssyncadd.s32 $0xFFFFC000  }
.LBB2_5:
0xa1: {  	s25 =	sadd.s32 $0x0, s10  }
0xa2: {  	[tilespmem:s3], [sflag:$0x5] =	stream.linear.gather [hbm4b:s25+s3], $0x80, $0x38;
	[tilespmem:$0x1BE00] =	vst v63  }
0xa3: {  	_ =	swait.ge [sflag:s14], $0x80  }
0xa4: {  	[sflag:s14] =	ssyncset.done $0x0  }
0xa5: {  	s31 =	sadd.s32 $0x0, s9;
	[sflag:s14] =	ssyncadd.s32 $0xFFFFFF80  }
0xa6: {  	[tilespmem:s16], [sflag:$0x5] =	stream.linear.gather [hbm4b:s31+s3], $0x80, $0x38;
	[tilespmem:$0x1BE00] =	vst v63  }
0xa7: {  	_ =	swait.ge [sflag:s14], $0x80  }
0xa8: {  	[sflag:s14] =	ssyncset.done $0x0  }
0xa9: {  	[sflag:s14] =	ssyncadd.s32 $0xFFFFFF80  }
0xaa: {  	[tilespmem:s19], [sflag:$0x1] =	stream.indirect.gather [hbm4b:s4+s15], $0x80, s3, s15, $0xb8;
	[tilespmem:$0x1BE00] =	vst v63  }
0xab: {  	_ =	swait.ge [sflag:s21], $0x4000  }
0xac: {  	[sflag:s21] =	ssyncset.done $0x0  }
0xad: {  	[sflag:s21] =	ssyncadd.s32 $0xFFFFC000  }
0xae: {  	[spmem:s2] =	stream.indirect.scatter.add.f32 [tilespmem:s19], [sflag:$0x5], $0x80, s16, s15, $0xb8;
	[tilespmem:$0x1BE00] =	vst v63  }
0xaf: {  	_ =	swait.ge [sflag:s14], $0x4000  }
0xb0: {  	s26 =	simm.s32 $0x20;
	s25 =	simm.s32 $0x10;
	[sflag:s14] =	ssyncset.done $0x0  }
.LBB2_6:
0xb1: {  	s28 =	sadd.s32 s25, s10  }
0xb2: {  	[sflag:s14] =	ssyncadd.s32 $0xFFFFC000;
	s29 =	smov.u32 s26;
	s30 =	sadd.s32 $0x10, s26  }
0xb3: {  	[tilespmem:s3], [sflag:$0x5] =	stream.linear.gather [hbm4b:s28+s3], $0x80, $0x38;
	[tilespmem:$0x1BE00] =	vst v63  }
0xb4: {  	p1 =	sne.s32 s26, $0x320;
	_ =	swait.ge [sflag:s14], $0x80  }
0xb5: {  	[sflag:s14] =	ssyncset.done $0x0  }
0xb6: {  	s26 =	sadd.s32 s25, s9;
	s25 =	smov.u32 s29;
	[sflag:s14] =	ssyncadd.s32 $0xFFFFFF80  }
0xb7: {  	[tilespmem:s16], [sflag:$0x5] =	stream.linear.gather [hbm4b:s26+s3], $0x80, $0x38;
	[tilespmem:$0x1BE00] =	vst v63  }
0xb8: {  	_ =	swait.ge [sflag:s14], $0x80  }
0xb9: {  	[sflag:s14] =	ssyncset.done $0x0  }
0xba: {  	[sflag:s14] =	ssyncadd.s32 $0xFFFFFF80  }
0xbb: {  	[tilespmem:s19], [sflag:$0x1] =	stream.indirect.gather [hbm4b:s4+s15], $0x80, s3, s15, $0xb8;
	[tilespmem:$0x1BE00] =	vst v63  }
0xbc: {  	_ =	swait.ge [sflag:s21], $0x4000  }
.Ltmp5:
0xbd: {  	[sflag:s21] =	ssyncset.done $0x0;
	(pc) =	sbr.rel @p1 .LBB2_6-.Ltmp5, $4  }
0xbe: {  	[sflag:s21] =	ssyncadd.s32 $0xFFFFC000  }
0xbf: {  	[spmem:s2] =	stream.indirect.scatter.add.f32 [tilespmem:s19], [sflag:$0x5], $0x80, s16, s15, $0xb8;
	[tilespmem:$0x1BE00] =	vst v63  }
0xc0: {  	_ =	swait.ge [sflag:s14], $0x4000  }
0xc1: {  	s26 =	smov.u32 s30;
	[sflag:s14] =	ssyncset.done $0x0  }
.Ltmp6:
0xc2: {  	_ = 	snop;
	(pc) =	sbr.rel .LBB2_7-.Ltmp6, $1  }
0xc3: {  	_ =	sdelay $0x3  }
.LBB2_9:
0xc4: {  	_ =	sfence.sel $0x180000  }
0xc5: {  	[bflag:$0x0] =	sbarrier.arrive $0xFFFF  }
0xc6: {  	p0 =	sne.s32 s1, $0x0;
	_ =	strace $0x9000004A  }
0xc7: {  	s0 =	sadd.s32 @!p0 $0x100000, s0;
	[bflag:$0x2] =	sbarrier.arrive $0xFFFF  }
0xc8: {  	[sflag:s0] =	ssyncadd.tile.s32 @!p0 $0x1;
	_ =	shalt  }
.Lfunc_end2:
_tile_overlayer_lowered:
.L_overlay_start_2:
0xc9: {  	(tag) =	ssettag $0x2  }
0xca: {  	s0 =	rddreg [dreg:$0x0];
	s2 =	stileid.u32  }
0xcb: {  	s1 =	rddreg [dreg:$0x1];
	p0 =	sne.s32 s2, $0x0  }
0xcc: {  	s3 =	rddreg [dreg:$0x2];
	[bflag:$0x3] =	sbarrier.arrive $0xFFFF;
	s2 =	simm.s32 @!p0 $0x1C05  }
0xcd: {  	[timem:s3], [sflag:s2] =	dma.local @!p0 [hbm:s0], s1  }
0xce: {  	s0 =	simm.s32 @!p0 $0x5  }
0xcf: {  	_ =	swait.ge @!p0 [sflag:s0], s1  }
0xd0: {  	s1 =	ssub.s32 @!p0 $0x0, s1;
	[sflag:s0] =	ssyncset.done @!p0 $0x0  }
0xd1: {  	[sflag:s0] =	ssyncadd.s32 @!p0 s1  }
0xd2: {  	[bflag:$0x3] =	sbarrier.arrive $0xFFFF  }
0xd3: {  	_ =	shalt  }

// kernel: kernel.15.cloned.1.call-start
scs
__scs_entry_jumppad:
0x0: {  	(pc) =	sbr.rel $0x88, $3  }
0x1: {  	(tag) =	ssettag $0x0;
	lr =	simm.s32 $0x1  }
0x2: {  	[smem:$0x3F99] =	sst lr;
	_ =	strace $0xD0000000  }
0x3: {  	_ = 	snop  }
0x4: {  	_ = 	snop  }
0x5: {  	_ = 	snop  }
0x6: {  	_ = 	snop  }
0x7: {  	_ = 	snop  }
__scs_overlays_trampoline_lowered:
0x8: {  	[smem:$0x3FA8] =	sst s0  }
0x9: {  	[smem:$0x3FA9] =	sst s1  }
0xa: {  	[smem:$0x3FAA] =	sst s2  }
0xb: {  	[smem:$0x3FAB] =	sst s3  }
0xc: {  	[smem:$0x3FAC] =	sst s4  }
0xd: {  	[smem:$0x3FAD] =	sst s5  }
0xe: {  	[smem:$0x3FAE] =	sst s6  }
0xf: {  	[smem:$0x3FAF] =	sst s7  }
0x10: {  	[smem:$0x3FB0] =	sst s8  }
0x11: {  	[smem:$0x3FB1] =	sst s9;
	s0 =	simm.s32 @!p0 $0x0  }
0x12: {  	s1 =	sld [smem:$0x3F97];
	s0 =	simm.s32 @p0 $0x1  }
0x13: {  	[smem:$0x3FB2] =	sst s0;
	s0 =	simm.s32 @!p1 $0x0  }
0x14: {  	s2 =	sld [smem:$0x3F96];
	s0 =	simm.s32 @p1 $0x1  }
0x15: {  	[smem:$0x3FB3] =	sst s0;
	s0 =	simm.s32 @!p2 $0x0  }
0x16: {  	s3 =	sld [smem:$0x3FDB];
	s0 =	simm.s32 @p2 $0x1  }
0x17: {  	s4 =	simm.s32 $0x1BF5;
	[smem:$0x3FB5] =	sst s0  }
0x18: {  	s0 =	sld [smem:$0x3F98];
	_ =	swait.ge [sflag:s4], $0x0  }
0x19: {  	s7 =	sld [smem:$0x3F99]  }
0x1a: {  	s8 =	sadd.s32 $0xFFFFE003, lr  }
0x1b: {  	s9 =	sadd.s32 $0xFFFFFEF7, lr;
	s5 =	simm.s32 $0xFFFFFFFF;
	p2 =	slt.u32 s8, $0xFFFFF086  }
0x1c: {  	p1 =	slt.u32 s9, $0xF7A;
	s5 =	simm.s32 @!p2 $0x0  }
0x1d: {  	s5 =	simm.s32 @p1 $0x1;
	p0 =	seq.s32 s7, s2  }
0x1e: {  	s7 =	smul.u32 @!p0 $0xF7A, s2;
	p2 =	seq.s32 @!p0 s5, $0x0  }
0x1f: {  	s9 =	smul.u32 $0xF7A, s1;
	s8 =	simm.s32 @!p0 $0x1BF5;
	p2 =	por !p2, p0  }
0x20: {  	[sflag:s8] =	ssyncset.s32 @!p0 $0xFFFFF086;
	s6 =	sadd.s32 @!p0 s3, s7;
	s7 =	simm.s32 @!p0 $0x108  }
0x21: {  	s3 =	sadd.s32 s3, s9;
	s6 =	sadd.s32 @!p0 $0x88, s6;
	s7 =	simm.s32 @p2 $0x1082  }
0x22: {  	[simem:s7], [sflag:s8] =	dma.local @!p0 [hbm:s6], $0xF7A  }
0x23: {  	s9 =	sor.u32 $0xD0000000, s2;
	s6 =	simm.s32 $0x108;
	_ =	swait.ge @!p0 [sflag:s8], $0x0  }
0x24: {  	s3 =	sadd.s32 $0x88, s3;
	s6 =	simm.s32 @!p1 $0x1082;
	[sflag:s4] =	ssyncset.s32 $0xFFFFF086  }
0x25: {  	[simem:s6], [sflag:s4] =	dma.local [hbm:s3], $0xF7A  }
0x26: {  	[smem:$0x3F99] =	sst s1;
	(tag) =	ssettag s2;
	_ =	strace s9  }
0x27: {  	s1 =	sld [smem:$0x3FA9]  }
0x28: {  	s2 =	sld [smem:$0x3FAA]  }
0x29: {  	s4 =	sld [smem:$0x3FAC]  }
0x2a: {  	p0 =	seq.s32 s5, $0x0;
	s5 =	sld [smem:$0x3FAD]  }
0x2b: {  	s6 =	sld [smem:$0x3FAE]  }
0x2c: {  	s7 =	sld [smem:$0x3FAF]  }
0x2d: {  	s3 =	simm.s32 $0x108;
	s8 =	sld [smem:$0x3FB0]  }
0x2e: {  	s3 =	simm.s32 @!p0 $0x1082;
	s9 =	sld [smem:$0x3FB1]  }
0x2f: {  	lr =	sadd.s32 s0, s3;
	s0 =	sld [smem:$0x3FA8]  }
0x30: {  	s3 =	sld [smem:$0x3FAB]  }
0x31: {  	[smem:$0x3FB4] =	sst s10  }
0x32: {  	s10 =	sld [smem:$0x3FB2];
	_ =	sdelay $0x3  }
0x33: {  	p0 =	seq.s32 s10, $0x1;
	s10 =	sld [smem:$0x3FB4];
	_ =	sdelay $0x3  }
0x34: {  	[smem:$0x3FB4] =	sst s10  }
0x35: {  	s10 =	sld [smem:$0x3FB3];
	_ =	sdelay $0x3  }
0x36: {  	p1 =	seq.s32 s10, $0x1;
	s10 =	sld [smem:$0x3FB4];
	_ =	sdelay $0x3  }
0x37: {  	[smem:$0x3FB4] =	sst s10  }
0x38: {  	s10 =	sld [smem:$0x3FB5]  }
0x39: {  	_ = 	snop;
	(pc) =	sbr.ind lr, $3  }
0x3a: {  	_ = 	snop  }
0x3b: {  	_ = 	snop  }
0x3c: {  	p2 =	seq.s32 s10, $0x1;
	s10 =	sld [smem:$0x3FB4]  }
0x3d: {  	_ =	shalt  }
0x3e: {  	_ =	shalt  }
0x3f: {  	_ =	shalt  }
0x40: {  	_ =	shalt  }
0x41: {  	_ =	shalt  }
0x42: {  	_ =	shalt  }
0x43: {  	_ =	shalt  }
0x44: {  	_ =	shalt  }
0x45: {  	_ =	shalt  }
0x46: {  	_ =	shalt  }
0x47: {  	_ =	shalt  }
0x48: {  	_ =	shalt  }
0x49: {  	_ =	shalt  }
0x4a: {  	_ =	shalt  }
0x4b: {  	_ =	shalt  }
0x4c: {  	_ =	shalt  }
0x4d: {  	_ =	shalt  }
0x4e: {  	_ =	shalt  }
0x4f: {  	_ =	shalt  }
0x50: {  	_ =	shalt  }
0x51: {  	_ =	shalt  }
0x52: {  	_ =	shalt  }
0x53: {  	_ =	shalt  }
0x54: {  	_ =	shalt  }
0x55: {  	_ =	shalt  }
0x56: {  	_ =	shalt  }
0x57: {  	_ =	shalt  }
0x58: {  	_ =	shalt  }
0x59: {  	_ =	shalt  }
0x5a: {  	_ =	shalt  }
0x5b: {  	_ =	shalt  }
0x5c: {  	_ =	shalt  }
0x5d: {  	_ =	shalt  }
0x5e: {  	_ =	shalt  }
0x5f: {  	_ =	shalt  }
0x60: {  	_ =	shalt  }
0x61: {  	_ =	shalt  }
0x62: {  	_ =	shalt  }
0x63: {  	_ =	shalt  }
0x64: {  	_ =	shalt  }
0x65: {  	_ =	shalt  }
0x66: {  	_ =	shalt  }
0x67: {  	_ =	shalt  }
0x68: {  	_ =	shalt  }
0x69: {  	_ =	shalt  }
0x6a: {  	_ =	shalt  }
0x6b: {  	_ =	shalt  }
0x6c: {  	_ =	shalt  }
0x6d: {  	_ =	shalt  }
0x6e: {  	_ =	shalt  }
0x6f: {  	_ =	shalt  }
0x70: {  	_ =	shalt  }
0x71: {  	_ =	shalt  }
0x72: {  	_ =	shalt  }
0x73: {  	_ =	shalt  }
0x74: {  	_ =	shalt  }
0x75: {  	_ =	shalt  }
0x76: {  	_ =	shalt  }
0x77: {  	_ =	shalt  }
0x78: {  	_ =	shalt  }
0x79: {  	_ =	shalt  }
0x7a: {  	_ =	shalt  }
0x7b: {  	_ =	shalt  }
0x7c: {  	_ =	shalt  }
0x7d: {  	_ =	shalt  }
0x7e: {  	_ =	shalt  }
0x7f: {  	_ =	shalt  }
0x80: {  	_ =	shalt  }
0x81: {  	_ =	shalt  }
0x82: {  	_ =	shalt  }
0x83: {  	_ =	shalt  }
0x84: {  	_ =	shalt  }
0x85: {  	_ =	shalt  }
0x86: {  	_ =	shalt  }
0x87: {  	_ =	shalt  }
.Lfunc_end0:
.L_simem_size_0:
called_computation.2_lowered:
.L_overlay_start_0:
0x88: {  	s2 =	sld [smem:$0x3FD9]  }
0x89: {  	s3 =	sld [smem:$0x3FFE];
	_ =	sdelay $0x1  }
0x8a: {  	s1 =	srdreg.scid  }
0x8b: {  	s0 =	sand.u32 $0x1, s1  }
0x8c: {  	s14 =	sshll.u32 s0, $0xA;
	s2 =	sadd.s32 s3, s2  }
0x8d: {  	s2 =	sadd.s32 s2, s14  }
0x8e: {  	[smem:$0x3FC0] =	sst s2  }
0x8f: {  	_ = 	snop  }
0x90: {  	s2 =	sld [smem:$0x3FD0];
	_ =	sdelay $0x2  }
0x91: {  	s15 =	simm.s32 $0xA;
	s4 =	simm.s32 $0x10  }
0x92: {  	[smem:s4], [sflag:s15] =	dma.local [hbm:s2], $0x1  }
0x93: {  	_ =	swait.eq [sflag:s15], $0x1  }
0x94: {  	s16 =	sld [smem:$0x10];
	[sflag:s15] =	ssyncset.done $0x0  }
0x95: {  	s17 =	sld [smem:$0x11];
	[sflag:s15] =	ssyncadd.s32 $0xFFFFFFFF  }
0x96: {  	s18 =	sld [smem:$0x12];
	(tm) =	ssettm $0x1  }
0x97: {  	s5 =	sld [smem:$0x3FFB];
	_ =	sdelay $0x3  }
0x98: {  	_ =	strace s5  }
0x99: {  	s5 =	sld [smem:$0x3FFC];
	_ =	sdelay $0x3  }
0x9a: {  	_ =	strace s5  }
0x9b: {  	s5 =	sld [smem:$0x3FFD];
	_ =	sdelay $0x3  }
0x9c: {  	_ =	strace s5  }
0x9d: {  	_ =	strace $0x8FFFFFFF  }
0x9e: {  	s19 =	sld [smem:$0x3FDB];
	_ =	sdelay $0x1  }
0x9f: {  	s6 =	simm.s32 $_scs_section_size  }
0xa0: {  	s7 =	simm.s32 $_size__tile_overlayer_lowered;
	s8 =	simm.s32 $_tile_overlayer_lowered  }
0xa1: {  	s22 =	simm.s32 $0x1BFF;
	s21 =	sshll.u32 s8, $0x1;
	s5 =	sadd.s32 s6, s19  }
0xa2: {  	s9 =	simm.s32 $0x0;
	s20 =	sshll.u32 s7, $0x1;
	s7 =	sadd.s32 s21, s5  }
0xa3: {  	[timem:s9], [sflag:s22] =	dma.local [hbm:s7], s20  }
0xa4: {  	_ =	swait.ge [sflag:s22], s20  }
0xa5: {  	s6 =	ssub.s32 $0x0, s20;
	[sflag:s22] =	ssyncset.done $0x0  }
0xa6: {  	[sflag:s22] =	ssyncadd.s32 s6;
	_ =	sdelay $0x1  }
0xa7: {  	s23 =	simm.s32 $0x1B8B  }
0xa8: {  	_ =	swait.ge [sflag:s23], $0x1  }
0xa9: {  	[sflag:s23] =	ssyncset.done $0x0  }
0xaa: {  	s25 =	simm.s32 $0x1B8E;
	s24 =	sld [smem:$0x3FFE];
	[sflag:s23] =	ssyncadd.s32 $0xFFFFFFFF  }
0xab: {  	s26 =	simm.s32 $execute0_lowered;
	[smem:$0x3FD2] =	sst s25  }
0xac: {  	s7 =	sshll.u32 s26, $0x1;
	_ =	strace $0x8000004C;
	[dreg:$0x1] =	wrdreg $0xFFFFFFFF  }
0xad: {  	s28 =	simm.s32 $_size_execute0_lowered;
	s5 =	sadd.s32 s5, s7;
	[dreg:$0x0] =	wrdreg $0x0  }
0xae: {  	s7 =	sshll.u32 s28, $0x1;
	[dreg:$0x2] =	wrdreg s5  }
0xaf: {  	[dreg:$0x3] =	wrdreg s7  }
0xb0: {  	[dreg:$0x4] =	wrdreg $0xC0  }
0xb1: {  	_ =	task [dreg:s9], $0x5FFFF  }
0xb2: {  	[dreg:$0x1] =	wrdreg $0xFFFFFFFF  }
0xb3: {  	[dreg:$0x0] =	wrdreg $0x60  }
0xb4: {  	[dreg:$0x2] =	wrdreg s24  }
0xb5: {  	[dreg:$0x3] =	wrdreg s18  }
0xb6: {  	[dreg:$0x4] =	wrdreg s17  }
0xb7: {  	[dreg:$0x5] =	wrdreg s16  }
0xb8: {  	[dreg:$0x6] =	wrdreg $0x82000  }
0xb9: {  	[dreg:$0x7] =	wrdreg $0x9  }
0xba: {  	_ =	task.clear_ibuf [dreg:s9], $0x8FFFF;
	_ =	strace $0x9000004C  }
0xbb: {  	s29 =	simm.s32 $0x9;
	_ =	strace $0x8000004E  }
0xbc: {  	_ =	swait.ge [sflag:s29], $0x1  }
0xbd: {  	[sflag:s29] =	ssyncadd.s32 $0xFFFFFFFF  }
0xbe: {  	_ =	strace $0x9000004E  }
0xbf: {  	_ =	sfence  }
0xc0: {  	s30 =	sld [smem:$0x0];
	_ =	sdelay $0x2  }
0xc1: {  	s31 =	sshll.u32 s1, $0xD;
	s1 =	sshrl.u32 s1, $0x2  }
0xc2: {  	s3 =	sand.u32 $0x4000, s31;
	s1 =	sadd.s32 s1, s30  }
0xc3: {  	s0 =	sor.u32 s3, s0;
	s1 =	sshll.u32 s1, $0x11  }
0xc4: {  	s0 =	sor.u32 s1, s0  }
0xc5: {  	s0 =	sadd.s32 $0x8F2B, s0  }
0xc6: {  	[sflag:s0] =	ssyncadd.remote.s32 $0x1  }
0xc7: {  	_ =	sfence.sel $0xFFFF  }
0xc8: {  	[dreg:$0x0] =	wrdreg $0xFFFFFFFF;
	(pc) =	sbr.abs _section_cstart, $3  }
0xc9: {  	[dreg:$0x1] =	wrdreg $0xFFFFFFFF  }
0xca: {  	_ =	task.clear_ibuf [dreg:s9], $0x2FFFF;
	_ =	strace $0x9FFFFFFF  }
0xcb: {  	(tm) =	ssettm $0x7FFFFFFF  }
tec
execute0_lowered:
.L_overlay_start_1:
0x0: {  	(tag) =	ssettag $0x1  }
0x1: {  	s5 =	rddreg [dreg:$0x0]  }
0x2: {  	s11 =	rddreg [dreg:$0x1]  }
0x3: {  	s12 =	rddreg [dreg:$0x2]  }
0x4: {  	s7 =	rddreg [dreg:$0x3]  }
0x5: {  	s2 =	rddreg [dreg:$0x4]  }
0x6: {  	s0 =	rddreg [dreg:$0x5];
	s3 =	simm.s32 $0x0  }
0x7: {  	s1 =	stileid.u32;
	s8 =	srdreg.scid;
	s17 =	simm.s32 $0x180  }
0x8: {  	s18 =	simm.s32 $0x3;
	s19 =	simm.s32 $0x200;
	s20 =	simm.s32 $0x4200  }
0x9: {  	s21 =	simm.s32 $0x1;
	s22 =	simm.s32 $0x2;
	s6 =	smul.u32 $0x13C00, s1  }
0xa: {  	s23 =	simm.s32 $0x4;
	s24 =	simm.s32 $0x0;
	s25 =	smul.u32 $0x4F000, s1  }
0xb: {  	[smem:$0x7FF] =	sst s3;
	s4 =	sadd.s32 $0x2AA00, s5;
	s30 =	smul.u32 $0x330, s1  }
0xc: {  	s13 =	sand.u32 $0x1, s8;
	s28 =	sshll.u32 s1, $0x6;
	s16 =	smul.u32 $0x6A0, s1  }
0xd: {  	_ =	strace $0x8000004D;
	s10 =	ssub.s32 $0x2, s13;
	s14 =	smul.u32 $0x13C000, s13  }
0xe: {  	p0 =	sne.s32 s13, $0x0;
	s9 =	sshrl.u32 s6, $0x3;
	s26 =	sshrl.u32 s10, $0x1  }
0xf: {  	s8 =	sshrl.u32 s25, $0x2;
	s31 =	sadd.s32 s30, s12;
	s12 =	sadd.s32 s16, s12  }
0x10: {  	s5 =	sadd.s32 s9, s5;
	s9 =	ssub.s32 s10, s26;
	s15 =	sadd.s32 s8, s2  }
.Ltmp0:
0x11: {  	s6 =	sadd.s32 s6, s14;
	s14 =	sadd.s32 s30, s11;
	(pc) =	sbr.rel .LBB2_1-.Ltmp0, $4  }
0x12: {  	s11 =	sadd.s32 s16, s11;
	s16 =	simm.s32 $0x100;
	s29 =	sshrl.u32 s6, $0x3  }
0x13: {  	s5 =	sadd.s32 $0x3200, s5;
	s6 =	sor.u32 $0x1C05, s28;
	s8 =	smax.u32 s9, $0x1  }
0x14: {  	s9 =	sadd.s32 $0x6A00, s31;
	s10 =	sadd.s32 $0x6A00, s14;
	s13 =	sshrl.u32 s15, $0x3  }
0x15: {  	s14 =	simm.s32 $0x5;
	s15 =	simm.s32 $0x80;
	s7 =	sadd.s32 s7, s29  }
.LBB2_7:
0x16: {  	s26 =	sadd.s32 s25, s10;
	[sflag:s14] =	ssyncadd.s32 $0xFFFFC000  }
0x17: {  	[tilespmem:s3], [sflag:$0x5] =	stream.linear.gather [hbm4b:s26+s3], $0x80, $0x38;
	[tilespmem:$0x1BE00] =	vst v63  }
0x18: {  	_ =	swait.ge [sflag:s14], $0x80  }
0x19: {  	[sflag:s14] =	ssyncset.done $0x0  }
0x1a: {  	s31 =	sadd.s32 s25, s9;
	[sflag:s14] =	ssyncadd.s32 $0xFFFFFF80  }
0x1b: {  	[tilespmem:s16], [sflag:$0x5] =	stream.linear.gather [hbm4b:s31+s3], $0x80, $0x38;
	[tilespmem:$0x1BE00] =	vst v63  }
0x1c: {  	_ =	swait.ge [sflag:s14], $0x80  }
0x1d: {  	[sflag:s14] =	ssyncset.done $0x0  }
0x1e: {  	[sflag:s14] =	ssyncadd.s32 $0xFFFFFF80  }
0x1f: {  	[tilespmem:s19], [sflag:$0x1] =	stream.indirect.gather [hbm4b:s4+s15], $0x80, s3, s15, $0xb8;
	[tilespmem:$0x1BE00] =	vst v63  }
0x20: {  	_ =	swait.ge [sflag:s21], $0x4000  }
0x21: {  	[sflag:s21] =	ssyncset.done $0x0  }
0x22: {  	[sflag:s21] =	ssyncadd.s32 $0xFFFFC000  }
0x23: {  	[spmem:s2] =	stream.indirect.scatter.add.f32 [tilespmem:s19], [sflag:$0x5], $0x80, s16, s15, $0xb8;
	[tilespmem:$0x1BE00] =	vst v63  }
0x24: {  	_ =	swait.ge [sflag:s14], $0x4000  }
0x25: {  	[sflag:s14] =	ssyncset.done $0x0  }
0x26: {  	[sflag:s14] =	ssyncadd.s32 $0xFFFFC000  }
.LBB2_8:
0x27: {  	s24 =	sadd.s32 $0x1, s24  }
0x28: {  	p1 =	sne.s32 s24, s8  }
.Ltmp1:
0x29: {  	[bflag:$0x0] =	sbarrier.arrive $0xFFFF;
	(pc) =	sbr.rel @!p1 .LBB2_9-.Ltmp1, $4  }
0x2a: {  	[hbm:s7], [sflag:s6] =	dma.local [spmem:s13], $0x2780  }
0x2b: {  	_ =	swait.ge [sflag:s14], $0x2780  }
0x2c: {  	[sflag:s14] =	ssyncset.done $0x0  }
0x2d: {  	[sflag:s14] =	ssyncadd.s32 $0xFFFFD880  }
.LBB2_1:
0x2e: {  	[spmem:s13], [sflag:s6] =	dma.local [hbm:s5], $0x2780  }
.Ltmp2:
0x2f: {  	_ =	swait.ge [sflag:s14], $0x2780;
	(pc) =	sbr.rel @p0 .LBB2_5-.Ltmp2, $3  }
0x30: {  	[sflag:s14] =	ssyncset.done $0x0  }
0x31: {  	[sflag:s14] =	ssyncadd.s32 $0xFFFFD880  }
0x32: {  	[bflag:$0x0] =	sbarrier.arrive $0xFFFF;
	_ =	sdelay $0x1  }
0x33: {  	s25 =	sadd.s32 $0x0, s11  }
0x34: {  	[tilespmem:s3], [sflag:$0x3] =	stream.linear.gather [hbm4b:s25+s3], $0x80, $0x38;
	[tilespmem:$0x1BE00] =	vst v63  }
0x35: {  	s25 =	sadd.s32 $0x10, s25  }
0x36: {  	[tilespmem:s15], [sflag:$0x3] =	stream.linear.gather [hbm4b:s25+s3], $0x80, $0x38;
	[tilespmem:$0x1BE00] =	vst v63  }
0x37: {  	s31 =	sadd.s32 $0x0, s12  }
0x38: {  	[tilespmem:s16], [sflag:$0x3] =	stream.linear.gather [hbm4b:s31+s3], $0x80, $0x38;
	[tilespmem:$0x1BE00] =	vst v63  }
0x39: {  	s25 =	sadd.s32 $0x10, s31  }
0x3a: {  	[tilespmem:s17], [sflag:$0x3] =	stream.linear.gather [hbm4b:s25+s3], $0x80, $0x38;
	[tilespmem:$0x1BE00] =	vst v63  }
0x3b: {  	_ =	swait.ge [sflag:s18], $0x80  }
0x3c: {  	[sflag:s18] =	ssyncset.done $0x0  }
0x3d: {  	[sflag:s18] =	ssyncadd.s32 $0xFFFFFF80  }
0x3e: {  	_ =	swait.ge [sflag:s18], $0x80  }
0x3f: {  	[sflag:s18] =	ssyncset.done $0x0  }
0x40: {  	[sflag:s18] =	ssyncadd.s32 $0xFFFFFF80  }
0x41: {  	_ =	swait.ge [sflag:s18], $0x80  }
0x42: {  	[sflag:s18] =	ssyncset.done $0x0  }
0x43: {  	[sflag:s18] =	ssyncadd.s32 $0xFFFFFF80  }
0x44: {  	_ =	swait.ge [sflag:s18], $0x80  }
0x45: {  	[sflag:s18] =	ssyncset.done $0x0  }
0x46: {  	[sflag:s18] =	ssyncadd.s32 $0xFFFFFF80  }
0x47: {  	[tilespmem:s19], [sflag:$0x1] =	stream.indirect.gather [hbm4b:s4+s15], $0x80, s3, s15, $0xb8;
	[tilespmem:$0x1BE00] =	vst v63  }
0x48: {  	_ = 	snop  }
0x49: {  	[tilespmem:s20], [sflag:$0x2] =	stream.indirect.gather [hbm4b:s4+s15], $0x80, s15, s15, $0xb8;
	[tilespmem:$0x1BE00] =	vst v63  }
0x4a: {  	_ =	swait.ge [sflag:s21], $0x4000  }
0x4b: {  	[sflag:s21] =	ssyncset.done $0x0  }
0x4c: {  	[sflag:s21] =	ssyncadd.s32 $0xFFFFC000  }
0x4d: {  	[spmem:s2] =	stream.indirect.scatter.add.f32 [tilespmem:s19], [sflag:$0x4], $0x80, s16, s15, $0xb8;
	[tilespmem:$0x1BE00] =	vst v63  }
0x4e: {  	_ =	swait.ge [sflag:s22], $0x4000  }
0x4f: {  	[sflag:s22] =	ssyncset.done $0x0  }
0x50: {  	[sflag:s22] =	ssyncadd.s32 $0xFFFFC000  }
0x51: {  	[spmem:s2] =	stream.indirect.scatter.add.f32 [tilespmem:s20], [sflag:$0x4], $0x80, s17, s15, $0xb8;
	[tilespmem:$0x1BE00] =	vst v63  }
0x52: {  	_ =	swait.ge [sflag:s23], $0x4000  }
0x53: {  	[sflag:s23] =	ssyncset.done $0x0  }
0x54: {  	[sflag:s23] =	ssyncadd.s32 $0xFFFFC000  }
0x55: {  	_ =	swait.ge [sflag:s23], $0x4000  }
0x56: {  	s28 =	simm.s32 $0x40;
	s25 =	simm.s32 $0x20;
	[sflag:s23] =	ssyncset.done $0x0  }
.LBB2_3:
0x57: {  	s29 =	sadd.s32 s25, s11  }
0x58: {  	[sflag:s23] =	ssyncadd.s32 $0xFFFFC000;
	s30 =	smov.u32 s28;
	s26 =	sadd.s32 $0x20, s28  }
0x59: {  	[tilespmem:s3], [sflag:$0x3] =	stream.linear.gather [hbm4b:s29+s3], $0x80, $0x38;
	[tilespmem:$0x1BE00] =	vst v63  }
0x5a: {  	p1 =	seq.s32 s28, $0x680;
	s28 =	sadd.s32 $0x10, s29  }
0x5b: {  	[tilespmem:s15], [sflag:$0x3] =	stream.linear.gather [hbm4b:s28+s3], $0x80, $0x38;
	[tilespmem:$0x1BE00] =	vst v63  }
0x5c: {  	s28 =	sadd.s32 s25, s12;
	s25 =	smov.u32 s30  }
0x5d: {  	[tilespmem:s16], [sflag:$0x3] =	stream.linear.gather [hbm4b:s28+s3], $0x80, $0x38;
	[tilespmem:$0x1BE00] =	vst v63  }
0x5e: {  	s28 =	sadd.s32 $0x10, s28  }
0x5f: {  	[tilespmem:s17], [sflag:$0x3] =	stream.linear.gather [hbm4b:s28+s3], $0x80, $0x38;
	[tilespmem:$0x1BE00] =	vst v63  }
0x60: {  	_ =	swait.ge [sflag:s18], $0x80  }
0x61: {  	[sflag:s18] =	ssyncset.done $0x0  }
0x62: {  	[sflag:s18] =	ssyncadd.s32 $0xFFFFFF80  }
0x63: {  	_ =	swait.ge [sflag:s18], $0x80  }
0x64: {  	[sflag:s18] =	ssyncset.done $0x0  }
0x65: {  	[sflag:s18] =	ssyncadd.s32 $0xFFFFFF80  }
0x66: {  	_ =	swait.ge [sflag:s18], $0x80  }
0x67: {  	[sflag:s18] =	ssyncset.done $0x0  }
0x68: {  	[sflag:s18] =	ssyncadd.s32 $0xFFFFFF80  }
0x69: {  	_ =	swait.ge [sflag:s18], $0x80  }
0x6a: {  	[sflag:s18] =	ssyncset.done $0x0  }
0x6b: {  	[sflag:s18] =	ssyncadd.s32 $0xFFFFFF80  }
0x6c: {  	[tilespmem:s19], [sflag:$0x1] =	stream.indirect.gather [hbm4b:s4+s15], $0x80, s3, s15, $0xb8;
	[tilespmem:$0x1BE00] =	vst v63  }
0x6d: {  	_ = 	snop  }
0x6e: {  	[tilespmem:s20], [sflag:$0x2] =	stream.indirect.gather [hbm4b:s4+s15], $0x80, s15, s15, $0xb8;
	[tilespmem:$0x1BE00] =	vst v63  }
0x6f: {  	_ =	swait.ge [sflag:s21], $0x4000  }
0x70: {  	[sflag:s21] =	ssyncset.done $0x0  }
0x71: {  	[sflag:s21] =	ssyncadd.s32 $0xFFFFC000  }
0x72: {  	[spmem:s2] =	stream.indirect.scatter.add.f32 [tilespmem:s19], [sflag:$0x4], $0x80, s16, s15, $0xb8;
	[tilespmem:$0x1BE00] =	vst v63  }
0x73: {  	_ =	swait.ge [sflag:s22], $0x4000  }
0x74: {  	[sflag:s22] =	ssyncset.done $0x0  }
0x75: {  	[sflag:s22] =	ssyncadd.s32 $0xFFFFC000  }
0x76: {  	[spmem:s2] =	stream.indirect.scatter.add.f32 [tilespmem:s20], [sflag:$0x4], $0x80, s17, s15, $0xb8;
	[tilespmem:$0x1BE00] =	vst v63  }
.Ltmp3:
0x77: {  	_ =	swait.ge [sflag:s23], $0x4000;
	(pc) =	sbr.rel @!p1 .LBB2_3-.Ltmp3, $4  }
0x78: {  	[sflag:s23] =	ssyncset.done $0x0  }
0x79: {  	[sflag:s23] =	ssyncadd.s32 $0xFFFFC000  }
0x7a: {  	_ =	swait.ge [sflag:s23], $0x4000  }
0x7b: {  	s28 =	smov.u32 s26;
	[sflag:s23] =	ssyncset.done $0x0  }
0x7c: {  	s26 =	sadd.s32 s25, s11;
	[sflag:s23] =	ssyncadd.s32 $0xFFFFC000  }
0x7d: {  	[tilespmem:s3], [sflag:$0x3] =	stream.linear.gather [hbm4b:s26+s3], $0x80, $0x38;
	[tilespmem:$0x1BE00] =	vst v63  }
0x7e: {  	s26 =	sadd.s32 $0x10, s26  }
0x7f: {  	[tilespmem:s15], [sflag:$0x3] =	stream.linear.gather [hbm4b:s26+s3], $0x80, $0x38;
	[tilespmem:$0x1BE00] =	vst v63  }
0x80: {  	s31 =	sadd.s32 s25, s12  }
0x81: {  	[tilespmem:s16], [sflag:$0x3] =	stream.linear.gather [hbm4b:s31+s3], $0x80, $0x38;
	[tilespmem:$0x1BE00] =	vst v63  }
0x82: {  	s25 =	sadd.s32 $0x10, s31  }
0x83: {  	[tilespmem:s17], [sflag:$0x3] =	stream.linear.gather [hbm4b:s25+s3], $0x80, $0x38;
	[tilespmem:$0x1BE00] =	vst v63  }
0x84: {  	_ =	swait.ge [sflag:s18], $0x80  }
0x85: {  	[sflag:s18] =	ssyncset.done $0x0  }
0x86: {  	[sflag:s18] =	ssyncadd.s32 $0xFFFFFF80  }
0x87: {  	_ =	swait.ge [sflag:s18], $0x80  }
0x88: {  	[sflag:s18] =	ssyncset.done $0x0  }
0x89: {  	[sflag:s18] =	ssyncadd.s32 $0xFFFFFF80  }
0x8a: {  	_ =	swait.ge [sflag:s18], $0x80  }
0x8b: {  	[sflag:s18] =	ssyncset.done $0x0  }
0x8c: {  	[sflag:s18] =	ssyncadd.s32 $0xFFFFFF80  }
0x8d: {  	_ =	swait.ge [sflag:s18], $0x80  }
0x8e: {  	[sflag:s18] =	ssyncset.done $0x0  }
0x8f: {  	[sflag:s18] =	ssyncadd.s32 $0xFFFFFF80  }
0x90: {  	[tilespmem:s19], [sflag:$0x1] =	stream.indirect.gather [hbm4b:s4+s15], $0x80, s3, s15, $0xb8;
	[tilespmem:$0x1BE00] =	vst v63  }
0x91: {  	_ = 	snop  }
0x92: {  	[tilespmem:s20], [sflag:$0x2] =	stream.indirect.gather [hbm4b:s4+s15], $0x80, s15, s15, $0xb8;
	[tilespmem:$0x1BE00] =	vst v63  }
0x93: {  	_ =	swait.ge [sflag:s21], $0x4000  }
0x94: {  	[sflag:s21] =	ssyncset.done $0x0  }
0x95: {  	[sflag:s21] =	ssyncadd.s32 $0xFFFFC000  }
0x96: {  	[spmem:s2] =	stream.indirect.scatter.add.f32 [tilespmem:s19], [sflag:$0x4], $0x80, s16, s15, $0xb8;
	[tilespmem:$0x1BE00] =	vst v63  }
0x97: {  	_ =	swait.ge [sflag:s22], $0x4000  }
0x98: {  	[sflag:s22] =	ssyncset.done $0x0  }
0x99: {  	[sflag:s22] =	ssyncadd.s32 $0xFFFFC000  }
0x9a: {  	[spmem:s2] =	stream.indirect.scatter.add.f32 [tilespmem:s20], [sflag:$0x4], $0x80, s17, s15, $0xb8;
	[tilespmem:$0x1BE00] =	vst v63  }
0x9b: {  	_ =	swait.ge [sflag:s23], $0x4000  }
.Ltmp4:
0x9c: {  	[sflag:s23] =	ssyncset.done $0x0;
	(pc) =	sbr.rel .LBB2_8-.Ltmp4, $4  }
0x9d: {  	[sflag:s23] =	ssyncadd.s32 $0xFFFFC000  }
0x9e: {  	_ =	swait.ge [sflag:s23], $0x4000  }
0x9f: {  	[sflag:s23] =	ssyncset.done $0x0  }
0xa0: {  	[sflag:s23] =	ssyncadd.s32 $0xFFFFC000  }
.LBB2_5:
0xa1: {  	s25 =	sadd.s32 $0x0, s10  }
0xa2: {  	[tilespmem:s3], [sflag:$0x5] =	stream.linear.gather [hbm4b:s25+s3], $0x80, $0x38;
	[tilespmem:$0x1BE00] =	vst v63  }
0xa3: {  	_ =	swait.ge [sflag:s14], $0x80  }
0xa4: {  	[sflag:s14] =	ssyncset.done $0x0  }
0xa5: {  	s31 =	sadd.s32 $0x0, s9;
	[sflag:s14] =	ssyncadd.s32 $0xFFFFFF80  }
0xa6: {  	[tilespmem:s16], [sflag:$0x5] =	stream.linear.gather [hbm4b:s31+s3], $0x80, $0x38;
	[tilespmem:$0x1BE00] =	vst v63  }
0xa7: {  	_ =	swait.ge [sflag:s14], $0x80  }
0xa8: {  	[sflag:s14] =	ssyncset.done $0x0  }
0xa9: {  	[sflag:s14] =	ssyncadd.s32 $0xFFFFFF80  }
0xaa: {  	[tilespmem:s19], [sflag:$0x1] =	stream.indirect.gather [hbm4b:s4+s15], $0x80, s3, s15, $0xb8;
	[tilespmem:$0x1BE00] =	vst v63  }
0xab: {  	_ =	swait.ge [sflag:s21], $0x4000  }
0xac: {  	[sflag:s21] =	ssyncset.done $0x0  }
0xad: {  	[sflag:s21] =	ssyncadd.s32 $0xFFFFC000  }
0xae: {  	[spmem:s2] =	stream.indirect.scatter.add.f32 [tilespmem:s19], [sflag:$0x5], $0x80, s16, s15, $0xb8;
	[tilespmem:$0x1BE00] =	vst v63  }
0xaf: {  	_ =	swait.ge [sflag:s14], $0x4000  }
0xb0: {  	s26 =	simm.s32 $0x20;
	s25 =	simm.s32 $0x10;
	[sflag:s14] =	ssyncset.done $0x0  }
.LBB2_6:
0xb1: {  	s28 =	sadd.s32 s25, s10  }
0xb2: {  	[sflag:s14] =	ssyncadd.s32 $0xFFFFC000;
	s29 =	smov.u32 s26;
	s30 =	sadd.s32 $0x10, s26  }
0xb3: {  	[tilespmem:s3], [sflag:$0x5] =	stream.linear.gather [hbm4b:s28+s3], $0x80, $0x38;
	[tilespmem:$0x1BE00] =	vst v63  }
0xb4: {  	p1 =	sne.s32 s26, $0x320;
	_ =	swait.ge [sflag:s14], $0x80  }
0xb5: {  	[sflag:s14] =	ssyncset.done $0x0  }
0xb6: {  	s26 =	sadd.s32 s25, s9;
	s25 =	smov.u32 s29;
	[sflag:s14] =	ssyncadd.s32 $0xFFFFFF80  }
0xb7: {  	[tilespmem:s16], [sflag:$0x5] =	stream.linear.gather [hbm4b:s26+s3], $0x80, $0x38;
	[tilespmem:$0x1BE00] =	vst v63  }
0xb8: {  	_ =	swait.ge [sflag:s14], $0x80  }
0xb9: {  	[sflag:s14] =	ssyncset.done $0x0  }
0xba: {  	[sflag:s14] =	ssyncadd.s32 $0xFFFFFF80  }
0xbb: {  	[tilespmem:s19], [sflag:$0x1] =	stream.indirect.gather [hbm4b:s4+s15], $0x80, s3, s15, $0xb8;
	[tilespmem:$0x1BE00] =	vst v63  }
0xbc: {  	_ =	swait.ge [sflag:s21], $0x4000  }
.Ltmp5:
0xbd: {  	[sflag:s21] =	ssyncset.done $0x0;
	(pc) =	sbr.rel @p1 .LBB2_6-.Ltmp5, $4  }
0xbe: {  	[sflag:s21] =	ssyncadd.s32 $0xFFFFC000  }
0xbf: {  	[spmem:s2] =	stream.indirect.scatter.add.f32 [tilespmem:s19], [sflag:$0x5], $0x80, s16, s15, $0xb8;
	[tilespmem:$0x1BE00] =	vst v63  }
0xc0: {  	_ =	swait.ge [sflag:s14], $0x4000  }
0xc1: {  	s26 =	smov.u32 s30;
	[sflag:s14] =	ssyncset.done $0x0  }
.Ltmp6:
0xc2: {  	_ = 	snop;
	(pc) =	sbr.rel .LBB2_7-.Ltmp6, $1  }
0xc3: {  	_ =	sdelay $0x3  }
.LBB2_9:
0xc4: {  	_ =	sfence.sel $0x180000  }
0xc5: {  	[bflag:$0x0] =	sbarrier.arrive $0xFFFF  }
0xc6: {  	p0 =	sne.s32 s1, $0x0;
	_ =	strace $0x9000004D  }
0xc7: {  	s0 =	sadd.s32 @!p0 $0x100000, s0;
	[bflag:$0x2] =	sbarrier.arrive $0xFFFF  }
0xc8: {  	[sflag:s0] =	ssyncadd.tile.s32 @!p0 $0x1;
	_ =	shalt  }
.Lfunc_end2:
_tile_overlayer_lowered:
.L_overlay_start_2:
0xc9: {  	(tag) =	ssettag $0x2  }
0xca: {  	s0 =	rddreg [dreg:$0x0];
	s2 =	stileid.u32  }
0xcb: {  	s1 =	rddreg [dreg:$0x1];
	p0 =	sne.s32 s2, $0x0  }
0xcc: {  	s3 =	rddreg [dreg:$0x2];
	[bflag:$0x3] =	sbarrier.arrive $0xFFFF;
	s2 =	simm.s32 @!p0 $0x1C05  }
0xcd: {  	[timem:s3], [sflag:s2] =	dma.local @!p0 [hbm:s0], s1  }
0xce: {  	s0 =	simm.s32 @!p0 $0x5  }
0xcf: {  	_ =	swait.ge @!p0 [sflag:s0], s1  }
0xd0: {  	s1 =	ssub.s32 @!p0 $0x0, s1;
	[sflag:s0] =	ssyncset.done @!p0 $0x0  }
0xd1: {  	[sflag:s0] =	ssyncadd.s32 @!p0 s1  }
0xd2: {  	[bflag:$0x3] =	sbarrier.arrive $0xFFFF  }
0xd3: {  	_ =	shalt  }

// kernel: kernel.9.cloned.1.call-start
scs
__scs_entry_jumppad:
0x0: {  	(pc) =	sbr.rel $0x88, $3  }
0x1: {  	(tag) =	ssettag $0x0;
	lr =	simm.s32 $0x1  }
0x2: {  	[smem:$0x3F99] =	sst lr;
	_ =	strace $0xD0000000  }
0x3: {  	_ = 	snop  }
0x4: {  	_ = 	snop  }
0x5: {  	_ = 	snop  }
0x6: {  	_ = 	snop  }
0x7: {  	_ = 	snop  }
__scs_overlays_trampoline_lowered:
0x8: {  	[smem:$0x3FA8] =	sst s0  }
0x9: {  	[smem:$0x3FA9] =	sst s1  }
0xa: {  	[smem:$0x3FAA] =	sst s2  }
0xb: {  	[smem:$0x3FAB] =	sst s3  }
0xc: {  	[smem:$0x3FAC] =	sst s4  }
0xd: {  	[smem:$0x3FAD] =	sst s5  }
0xe: {  	[smem:$0x3FAE] =	sst s6  }
0xf: {  	[smem:$0x3FAF] =	sst s7  }
0x10: {  	[smem:$0x3FB0] =	sst s8  }
0x11: {  	[smem:$0x3FB1] =	sst s9;
	s0 =	simm.s32 @!p0 $0x0  }
0x12: {  	s1 =	sld [smem:$0x3F97];
	s0 =	simm.s32 @p0 $0x1  }
0x13: {  	[smem:$0x3FB2] =	sst s0;
	s0 =	simm.s32 @!p1 $0x0  }
0x14: {  	s2 =	sld [smem:$0x3F96];
	s0 =	simm.s32 @p1 $0x1  }
0x15: {  	[smem:$0x3FB3] =	sst s0;
	s0 =	simm.s32 @!p2 $0x0  }
0x16: {  	s3 =	sld [smem:$0x3FDB];
	s0 =	simm.s32 @p2 $0x1  }
0x17: {  	s4 =	simm.s32 $0x1BF5;
	[smem:$0x3FB5] =	sst s0  }
0x18: {  	s0 =	sld [smem:$0x3F98];
	_ =	swait.ge [sflag:s4], $0x0  }
0x19: {  	s7 =	sld [smem:$0x3F99]  }
0x1a: {  	s8 =	sadd.s32 $0xFFFFE003, lr  }
0x1b: {  	s9 =	sadd.s32 $0xFFFFFEF7, lr;
	s5 =	simm.s32 $0xFFFFFFFF;
	p2 =	slt.u32 s8, $0xFFFFF086  }
0x1c: {  	p1 =	slt.u32 s9, $0xF7A;
	s5 =	simm.s32 @!p2 $0x0  }
0x1d: {  	s5 =	simm.s32 @p1 $0x1;
	p0 =	seq.s32 s7, s2  }
0x1e: {  	s7 =	smul.u32 @!p0 $0xF7A, s2;
	p2 =	seq.s32 @!p0 s5, $0x0  }
0x1f: {  	s9 =	smul.u32 $0xF7A, s1;
	s8 =	simm.s32 @!p0 $0x1BF5;
	p2 =	por !p2, p0  }
0x20: {  	[sflag:s8] =	ssyncset.s32 @!p0 $0xFFFFF086;
	s6 =	sadd.s32 @!p0 s3, s7;
	s7 =	simm.s32 @!p0 $0x108  }
0x21: {  	s3 =	sadd.s32 s3, s9;
	s6 =	sadd.s32 @!p0 $0x88, s6;
	s7 =	simm.s32 @p2 $0x1082  }
0x22: {  	[simem:s7], [sflag:s8] =	dma.local @!p0 [hbm:s6], $0xF7A  }
0x23: {  	s9 =	sor.u32 $0xD0000000, s2;
	s6 =	simm.s32 $0x108;
	_ =	swait.ge @!p0 [sflag:s8], $0x0  }
0x24: {  	s3 =	sadd.s32 $0x88, s3;
	s6 =	simm.s32 @!p1 $0x1082;
	[sflag:s4] =	ssyncset.s32 $0xFFFFF086  }
0x25: {  	[simem:s6], [sflag:s4] =	dma.local [hbm:s3], $0xF7A  }
0x26: {  	[smem:$0x3F99] =	sst s1;
	(tag) =	ssettag s2;
	_ =	strace s9  }
0x27: {  	s1 =	sld [smem:$0x3FA9]  }
0x28: {  	s2 =	sld [smem:$0x3FAA]  }
0x29: {  	s4 =	sld [smem:$0x3FAC]  }
0x2a: {  	p0 =	seq.s32 s5, $0x0;
	s5 =	sld [smem:$0x3FAD]  }
0x2b: {  	s6 =	sld [smem:$0x3FAE]  }
0x2c: {  	s7 =	sld [smem:$0x3FAF]  }
0x2d: {  	s3 =	simm.s32 $0x108;
	s8 =	sld [smem:$0x3FB0]  }
0x2e: {  	s3 =	simm.s32 @!p0 $0x1082;
	s9 =	sld [smem:$0x3FB1]  }
0x2f: {  	lr =	sadd.s32 s0, s3;
	s0 =	sld [smem:$0x3FA8]  }
0x30: {  	s3 =	sld [smem:$0x3FAB]  }
0x31: {  	[smem:$0x3FB4] =	sst s10  }
0x32: {  	s10 =	sld [smem:$0x3FB2];
	_ =	sdelay $0x3  }
0x33: {  	p0 =	seq.s32 s10, $0x1;
	s10 =	sld [smem:$0x3FB4];
	_ =	sdelay $0x3  }
0x34: {  	[smem:$0x3FB4] =	sst s10  }
0x35: {  	s10 =	sld [smem:$0x3FB3];
	_ =	sdelay $0x3  }
0x36: {  	p1 =	seq.s32 s10, $0x1;
	s10 =	sld [smem:$0x3FB4];
	_ =	sdelay $0x3  }
0x37: {  	[smem:$0x3FB4] =	sst s10  }
0x38: {  	s10 =	sld [smem:$0x3FB5]  }
0x39: {  	_ = 	snop;
	(pc) =	sbr.ind lr, $3  }
0x3a: {  	_ = 	snop  }
0x3b: {  	_ = 	snop  }
0x3c: {  	p2 =	seq.s32 s10, $0x1;
	s10 =	sld [smem:$0x3FB4]  }
0x3d: {  	_ =	shalt  }
0x3e: {  	_ =	shalt  }
0x3f: {  	_ =	shalt  }
0x40: {  	_ =	shalt  }
0x41: {  	_ =	shalt  }
0x42: {  	_ =	shalt  }
0x43: {  	_ =	shalt  }
0x44: {  	_ =	shalt  }
0x45: {  	_ =	shalt  }
0x46: {  	_ =	shalt  }
0x47: {  	_ =	shalt  }
0x48: {  	_ =	shalt  }
0x49: {  	_ =	shalt  }
0x4a: {  	_ =	shalt  }
0x4b: {  	_ =	shalt  }
0x4c: {  	_ =	shalt  }
0x4d: {  	_ =	shalt  }
0x4e: {  	_ =	shalt  }
0x4f: {  	_ =	shalt  }
0x50: {  	_ =	shalt  }
0x51: {  	_ =	shalt  }
0x52: {  	_ =	shalt  }
0x53: {  	_ =	shalt  }
0x54: {  	_ =	shalt  }
0x55: {  	_ =	shalt  }
0x56: {  	_ =	shalt  }
0x57: {  	_ =	shalt  }
0x58: {  	_ =	shalt  }
0x59: {  	_ =	shalt  }
0x5a: {  	_ =	shalt  }
0x5b: {  	_ =	shalt  }
0x5c: {  	_ =	shalt  }
0x5d: {  	_ =	shalt  }
0x5e: {  	_ =	shalt  }
0x5f: {  	_ =	shalt  }
0x60: {  	_ =	shalt  }
0x61: {  	_ =	shalt  }
0x62: {  	_ =	shalt  }
0x63: {  	_ =	shalt  }
0x64: {  	_ =	shalt  }
0x65: {  	_ =	shalt  }
0x66: {  	_ =	shalt  }
0x67: {  	_ =	shalt  }
0x68: {  	_ =	shalt  }
0x69: {  	_ =	shalt  }
0x6a: {  	_ =	shalt  }
0x6b: {  	_ =	shalt  }
0x6c: {  	_ =	shalt  }
0x6d: {  	_ =	shalt  }
0x6e: {  	_ =	shalt  }
0x6f: {  	_ =	shalt  }
0x70: {  	_ =	shalt  }
0x71: {  	_ =	shalt  }
0x72: {  	_ =	shalt  }
0x73: {  	_ =	shalt  }
0x74: {  	_ =	shalt  }
0x75: {  	_ =	shalt  }
0x76: {  	_ =	shalt  }
0x77: {  	_ =	shalt  }
0x78: {  	_ =	shalt  }
0x79: {  	_ =	shalt  }
0x7a: {  	_ =	shalt  }
0x7b: {  	_ =	shalt  }
0x7c: {  	_ =	shalt  }
0x7d: {  	_ =	shalt  }
0x7e: {  	_ =	shalt  }
0x7f: {  	_ =	shalt  }
0x80: {  	_ =	shalt  }
0x81: {  	_ =	shalt  }
0x82: {  	_ =	shalt  }
0x83: {  	_ =	shalt  }
0x84: {  	_ =	shalt  }
0x85: {  	_ =	shalt  }
0x86: {  	_ =	shalt  }
0x87: {  	_ =	shalt  }
.Lfunc_end0:
.L_simem_size_0:
called_computation_lowered:
.L_overlay_start_0:
0x88: {  	s2 =	sld [smem:$0x3FD9]  }
0x89: {  	s3 =	sld [smem:$0x3FFE];
	_ =	sdelay $0x1  }
0x8a: {  	s1 =	srdreg.scid  }
0x8b: {  	s0 =	sand.u32 $0x1, s1  }
0x8c: {  	s14 =	sshll.u32 s0, $0xA;
	s2 =	sadd.s32 s3, s2  }
0x8d: {  	s2 =	sadd.s32 s2, s14  }
0x8e: {  	[smem:$0x3FC0] =	sst s2  }
0x8f: {  	_ = 	snop  }
0x90: {  	s2 =	sld [smem:$0x3FD0];
	_ =	sdelay $0x2  }
0x91: {  	s15 =	simm.s32 $0xA;
	s4 =	simm.s32 $0x10  }
0x92: {  	[smem:s4], [sflag:s15] =	dma.local [hbm:s2], $0x1  }
0x93: {  	_ =	swait.eq [sflag:s15], $0x1  }
0x94: {  	[sflag:s15] =	ssyncset.done $0x0  }
0x95: {  	s16 =	sld [smem:$0x10];
	[sflag:s15] =	ssyncadd.s32 $0xFFFFFFFF  }
0x96: {  	s17 =	sld [smem:$0x13];
	(tm) =	ssettm $0x1  }
0x97: {  	s18 =	sld [smem:$0x3FFB];
	_ =	sdelay $0x3  }
0x98: {  	_ =	strace s18  }
0x99: {  	s4 =	sld [smem:$0x3FFC];
	_ =	sdelay $0x3  }
0x9a: {  	_ =	strace s4  }
0x9b: {  	s4 =	sld [smem:$0x3FFD];
	_ =	sdelay $0x3  }
0x9c: {  	_ =	strace s4  }
0x9d: {  	_ =	strace $0x8FFFFFFF  }
0x9e: {  	s19 =	sld [smem:$0x3FDB];
	_ =	sdelay $0x1  }
0x9f: {  	s5 =	simm.s32 $_scs_section_size  }
0xa0: {  	s6 =	simm.s32 $_size__tile_overlayer_lowered;
	s7 =	simm.s32 $_tile_overlayer_lowered  }
0xa1: {  	s22 =	simm.s32 $0x1BFF;
	s21 =	sshll.u32 s7, $0x1;
	s4 =	sadd.s32 s5, s19  }
0xa2: {  	s8 =	simm.s32 $0x0;
	s20 =	sshll.u32 s6, $0x1;
	s6 =	sadd.s32 s21, s4  }
0xa3: {  	[timem:s8], [sflag:s22] =	dma.local [hbm:s6], s20  }
0xa4: {  	_ =	swait.ge [sflag:s22], s20  }
0xa5: {  	s5 =	ssub.s32 $0x0, s20;
	[sflag:s22] =	ssyncset.done $0x0  }
0xa6: {  	[sflag:s22] =	ssyncadd.s32 s5;
	_ =	sdelay $0x1  }
0xa7: {  	s23 =	simm.s32 $0x1B8B  }
0xa8: {  	_ =	swait.ge [sflag:s23], $0x1  }
0xa9: {  	[sflag:s23] =	ssyncset.done $0x0  }
0xaa: {  	s25 =	simm.s32 $0x1B8E;
	s24 =	sld [smem:$0x3FFE];
	[sflag:s23] =	ssyncadd.s32 $0xFFFFFFFF  }
0xab: {  	s26 =	simm.s32 $execute0_lowered;
	[smem:$0x3FD2] =	sst s25  }
0xac: {  	s6 =	sshll.u32 s26, $0x1;
	_ =	strace $0x80000046;
	[dreg:$0x1] =	wrdreg $0xFFFFFFFF  }
0xad: {  	s28 =	simm.s32 $_size_execute0_lowered;
	s4 =	sadd.s32 s4, s6;
	[dreg:$0x0] =	wrdreg $0x0  }
0xae: {  	s6 =	sshll.u32 s28, $0x1;
	[dreg:$0x2] =	wrdreg s4  }
0xaf: {  	[dreg:$0x3] =	wrdreg s6  }
0xb0: {  	[dreg:$0x4] =	wrdreg $0xC0  }
0xb1: {  	_ =	task [dreg:s8], $0x5FFFF  }
0xb2: {  	[dreg:$0x1] =	wrdreg $0xFFFFFFFF  }
0xb3: {  	[dreg:$0x0] =	wrdreg $0x60  }
0xb4: {  	[dreg:$0x2] =	wrdreg s17  }
0xb5: {  	[dreg:$0x3] =	wrdreg s24  }
0xb6: {  	[dreg:$0x4] =	wrdreg s16  }
0xb7: {  	[dreg:$0x5] =	wrdreg $0x44000  }
0xb8: {  	[dreg:$0x6] =	wrdreg $0x9  }
0xb9: {  	_ =	task.clear_ibuf [dreg:s8], $0x7FFFF;
	_ =	strace $0x90000046  }
0xba: {  	s29 =	simm.s32 $0x9;
	_ =	strace $0x80000048  }
0xbb: {  	_ =	swait.ge [sflag:s29], $0x1  }
0xbc: {  	[sflag:s29] =	ssyncadd.s32 $0xFFFFFFFF  }
0xbd: {  	_ =	strace $0x90000048  }
0xbe: {  	_ =	sfence  }
0xbf: {  	s30 =	sld [smem:$0x0];
	_ =	sdelay $0x2  }
0xc0: {  	s31 =	sshll.u32 s1, $0xD;
	s1 =	sshrl.u32 s1, $0x2  }
0xc1: {  	s3 =	sand.u32 $0x4000, s31;
	s1 =	sadd.s32 s1, s30  }
0xc2: {  	s0 =	sor.u32 s3, s0;
	s1 =	sshll.u32 s1, $0x11  }
0xc3: {  	s0 =	sor.u32 s1, s0  }
0xc4: {  	s0 =	sadd.s32 $0x8F2B, s0  }
0xc5: {  	[sflag:s0] =	ssyncadd.remote.s32 $0x1  }
0xc6: {  	_ =	sfence.sel $0xFFFF  }
0xc7: {  	[dreg:$0x0] =	wrdreg $0xFFFFFFFF;
	(pc) =	sbr.abs _section_cstart, $3  }
0xc8: {  	[dreg:$0x1] =	wrdreg $0xFFFFFFFF  }
0xc9: {  	_ =	task.clear_ibuf [dreg:s8], $0x2FFFF;
	_ =	strace $0x9FFFFFFF  }
0xca: {  	(tm) =	ssettm $0x7FFFFFFF  }
0xcb: {  	_ =	shalt  }
tec
execute0_lowered:
.L_overlay_start_1:
0x0: {  	(tag) =	ssettag $0x1  }
0x1: {  	s9 =	rddreg [dreg:$0x0]  }
0x2: {  	s5 =	rddreg [dreg:$0x1]  }
0x3: {  	s7 =	rddreg [dreg:$0x2]  }
0x4: {  	s2 =	rddreg [dreg:$0x3]  }
0x5: {  	s0 =	rddreg [dreg:$0x4]  }
0x6: {  	s3 =	simm.s32 $0x0;
	s1 =	stileid.u32;
	s8 =	srdreg.scid  }
0x7: {  	s15 =	simm.s32 $0x180;
	s16 =	simm.s32 $0x200;
	s17 =	simm.s32 $0x280  }
0x8: {  	s18 =	simm.s32 $0x300;
	s19 =	simm.s32 $0x380;
	s20 =	simm.s32 $0x1  }
0x9: {  	s21 =	simm.s32 $0x2;
	s22 =	simm.s32 $0x0;
	s6 =	smul.u32 $0x13C00, s1  }
0xa: {  	[smem:$0x7FF] =	sst s3;
	s4 =	sadd.s32 $0x2A00, s5;
	s10 =	smul.u32 $0x4F000, s1  }
0xb: {  	s8 =	sand.u32 $0x1, s8;
	s14 =	smul.u32 $0x5000, s1;
	s30 =	sshll.u32 s1, $0x6  }
0xc: {  	_ =	strace $0x80000047;
	s12 =	ssub.s32 $0x2, s8;
	s13 =	smul.u32 $0x13C000, s8  }
0xd: {  	s8 =	smul.u32 $0x2800, s8;
	s11 =	sshrl.u32 s6, $0x3;
	s29 =	sshrl.u32 s12, $0x1  }
0xe: {  	s10 =	sshrl.u32 s10, $0x2;
	s5 =	sadd.s32 s11, s5;
	s11 =	ssub.s32 s12, s29  }
0xf: {  	s10 =	sadd.s32 s10, s2;
	s6 =	sadd.s32 s6, s13;
	s8 =	sadd.s32 s8, s14  }
0x10: {  	s12 =	simm.s32 $0x400;
	s14 =	simm.s32 $0x100;
	s5 =	sadd.s32 $0x3200, s5  }
0x11: {  	s13 =	sshrl.u32 s6, $0x3;
	s6 =	sor.u32 $0x1C03, s30;
	s31 =	sshrl.u32 s8, $0x3  }
0x12: {  	s8 =	smax.u32 s11, $0x1;
	s10 =	sshrl.u32 s10, $0x3;
	s11 =	simm.s32 $0x3  }
0x13: {  	s7 =	sadd.s32 s7, s13;
	s9 =	sadd.s32 s31, s9;
	s13 =	simm.s32 $0x80  }
.LBB2_1:
0x14: {  	[spmem:s10], [sflag:s6] =	dma.local [hbm:s5], $0x2780  }
0x15: {  	_ =	swait.ge [sflag:s11], $0x2780  }
0x16: {  	[sflag:s11] =	ssyncset.done $0x0  }
0x17: {  	[sflag:s11] =	ssyncadd.s32 $0xFFFFD880  }
0x18: {  	[tilespmem:s12], [sflag:$0x3] =	stream.linear.gather [hbm4b:s4+s3], $0x4000, $0x38;
	[tilespmem:$0x18000] =	vst v63  }
0x19: {  	_ =	swait.ge [sflag:s11], $0x4000  }
0x1a: {  	[sflag:s11] =	ssyncset.done $0x0  }
0x1b: {  	[sflag:s11] =	ssyncadd.s32 $0xFFFFC000  }
0x1c: {  	s23 =	sadd.s32 $0x0, s9;
	[bflag:$0x0] =	sbarrier.arrive $0xFFFF  }
0x1d: {  	[tilespmem:s3], [sflag:$0x1] =	stream.linear.gather [hbm4b:s23+s3], $0x80, $0x38;
	[tilespmem:$0x18000] =	vst v63  }
0x1e: {  	s24 =	sadd.s32 $0x10, s23  }
0x1f: {  	[tilespmem:s13], [sflag:$0x1] =	stream.linear.gather [hbm4b:s24+s3], $0x80, $0x38;
	[tilespmem:$0x18000] =	vst v63  }
0x20: {  	s26 =	sadd.s32 $0x20, s23  }
0x21: {  	[tilespmem:s14], [sflag:$0x1] =	stream.linear.gather [hbm4b:s26+s3], $0x80, $0x38;
	[tilespmem:$0x18000] =	vst v63  }
0x22: {  	s28 =	sadd.s32 $0x30, s23  }
0x23: {  	[tilespmem:s15], [sflag:$0x1] =	stream.linear.gather [hbm4b:s28+s3], $0x80, $0x38;
	[tilespmem:$0x18000] =	vst v63  }
0x24: {  	s29 =	sadd.s32 $0x40, s23  }
0x25: {  	[tilespmem:s16], [sflag:$0x1] =	stream.linear.gather [hbm4b:s29+s3], $0x80, $0x38;
	[tilespmem:$0x18000] =	vst v63  }
0x26: {  	s30 =	sadd.s32 $0x50, s23  }
0x27: {  	[tilespmem:s17], [sflag:$0x1] =	stream.linear.gather [hbm4b:s30+s3], $0x80, $0x38;
	[tilespmem:$0x18000] =	vst v63  }
0x28: {  	s31 =	sadd.s32 $0x60, s23  }
0x29: {  	[tilespmem:s18], [sflag:$0x1] =	stream.linear.gather [hbm4b:s31+s3], $0x80, $0x38;
	[tilespmem:$0x18000] =	vst v63  }
0x2a: {  	s23 =	sadd.s32 $0x70, s23  }
0x2b: {  	[tilespmem:s19], [sflag:$0x1] =	stream.linear.gather [hbm4b:s23+s3], $0x80, $0x38;
	[tilespmem:$0x18000] =	vst v63  }
0x2c: {  	_ =	swait.ge [sflag:s20], $0x80  }
0x2d: {  	[sflag:s20] =	ssyncset.done $0x0  }
0x2e: {  	[sflag:s20] =	ssyncadd.s32 $0xFFFFFF80  }
0x2f: {  	_ =	swait.ge [sflag:s20], $0x80  }
0x30: {  	[sflag:s20] =	ssyncset.done $0x0  }
0x31: {  	[sflag:s20] =	ssyncadd.s32 $0xFFFFFF80  }
0x32: {  	_ =	swait.ge [sflag:s20], $0x80  }
0x33: {  	[sflag:s20] =	ssyncset.done $0x0  }
0x34: {  	[sflag:s20] =	ssyncadd.s32 $0xFFFFFF80  }
0x35: {  	_ =	swait.ge [sflag:s20], $0x80  }
0x36: {  	[sflag:s20] =	ssyncset.done $0x0  }
0x37: {  	[sflag:s20] =	ssyncadd.s32 $0xFFFFFF80  }
0x38: {  	_ =	swait.ge [sflag:s20], $0x80  }
0x39: {  	[sflag:s20] =	ssyncset.done $0x0  }
0x3a: {  	[sflag:s20] =	ssyncadd.s32 $0xFFFFFF80  }
0x3b: {  	_ =	swait.ge [sflag:s20], $0x80  }
0x3c: {  	[sflag:s20] =	ssyncset.done $0x0  }
0x3d: {  	[sflag:s20] =	ssyncadd.s32 $0xFFFFFF80  }
0x3e: {  	_ =	swait.ge [sflag:s20], $0x80  }
0x3f: {  	[sflag:s20] =	ssyncset.done $0x0  }
0x40: {  	[sflag:s20] =	ssyncadd.s32 $0xFFFFFF80  }
0x41: {  	_ =	swait.ge [sflag:s20], $0x80  }
0x42: {  	[sflag:s20] =	ssyncset.done $0x0  }
0x43: {  	[sflag:s20] =	ssyncadd.s32 $0xFFFFFF80  }
0x44: {  	[spmem:s2] =	stream.indirect.scatter.add.f32 [tilespmem:s12], [sflag:$0x2], $0x80, s3, s13, $0xb8;
	[tilespmem:$0x18000] =	vst v63  }
0x45: {  	_ = 	snop  }
0x46: {  	[spmem:s2] =	stream.indirect.scatter.add.f32 [tilespmem:s12], [sflag:$0x2], $0x80, s13, s13, $0xb8;
	[tilespmem:$0x18000] =	vst v63  }
0x47: {  	_ = 	snop  }
0x48: {  	[spmem:s2] =	stream.indirect.scatter.add.f32 [tilespmem:s12], [sflag:$0x2], $0x80, s14, s13, $0xb8;
	[tilespmem:$0x18000] =	vst v63  }
0x49: {  	_ = 	snop  }
0x4a: {  	[spmem:s2] =	stream.indirect.scatter.add.f32 [tilespmem:s12], [sflag:$0x2], $0x80, s15, s13, $0xb8;
	[tilespmem:$0x18000] =	vst v63  }
0x4b: {  	_ = 	snop  }
0x4c: {  	[spmem:s2] =	stream.indirect.scatter.add.f32 [tilespmem:s12], [sflag:$0x2], $0x80, s16, s13, $0xb8;
	[tilespmem:$0x18000] =	vst v63  }
0x4d: {  	_ = 	snop  }
0x4e: {  	[spmem:s2] =	stream.indirect.scatter.add.f32 [tilespmem:s12], [sflag:$0x2], $0x80, s17, s13, $0xb8;
	[tilespmem:$0x18000] =	vst v63  }
0x4f: {  	_ = 	snop  }
0x50: {  	[spmem:s2] =	stream.indirect.scatter.add.f32 [tilespmem:s12], [sflag:$0x2], $0x80, s18, s13, $0xb8;
	[tilespmem:$0x18000] =	vst v63  }
0x51: {  	_ = 	snop  }
0x52: {  	[spmem:s2] =	stream.indirect.scatter.add.f32 [tilespmem:s12], [sflag:$0x2], $0x80, s19, s13, $0xb8;
	[tilespmem:$0x18000] =	vst v63  }
0x53: {  	_ =	swait.ge [sflag:s21], $0x4000  }
0x54: {  	[sflag:s21] =	ssyncset.done $0x0  }
0x55: {  	[sflag:s21] =	ssyncadd.s32 $0xFFFFC000  }
0x56: {  	_ =	swait.ge [sflag:s21], $0x4000  }
0x57: {  	[sflag:s21] =	ssyncset.done $0x0  }
0x58: {  	[sflag:s21] =	ssyncadd.s32 $0xFFFFC000  }
0x59: {  	_ =	swait.ge [sflag:s21], $0x4000  }
0x5a: {  	[sflag:s21] =	ssyncset.done $0x0  }
0x5b: {  	[sflag:s21] =	ssyncadd.s32 $0xFFFFC000  }
0x5c: {  	_ =	swait.ge [sflag:s21], $0x4000  }
0x5d: {  	[sflag:s21] =	ssyncset.done $0x0  }
0x5e: {  	[sflag:s21] =	ssyncadd.s32 $0xFFFFC000  }
0x5f: {  	_ =	swait.ge [sflag:s21], $0x4000  }
0x60: {  	[sflag:s21] =	ssyncset.done $0x0  }
0x61: {  	[sflag:s21] =	ssyncadd.s32 $0xFFFFC000  }
0x62: {  	_ =	swait.ge [sflag:s21], $0x4000  }
0x63: {  	[sflag:s21] =	ssyncset.done $0x0  }
0x64: {  	[sflag:s21] =	ssyncadd.s32 $0xFFFFC000  }
0x65: {  	_ =	swait.ge [sflag:s21], $0x4000  }
0x66: {  	[sflag:s21] =	ssyncset.done $0x0  }
0x67: {  	[sflag:s21] =	ssyncadd.s32 $0xFFFFC000  }
0x68: {  	_ =	swait.ge [sflag:s21], $0x4000  }
0x69: {  	s25 =	simm.s32 $0x100;
	s23 =	simm.s32 $0x80;
	[sflag:s21] =	ssyncset.done $0x0  }
.LBB2_2:
0x6a: {  	s26 =	sadd.s32 s23, s9  }
0x6b: {  	[sflag:s21] =	ssyncadd.s32 $0xFFFFC000;
	s23 =	smov.u32 s25;
	s24 =	sadd.s32 $0x80, s25  }
0x6c: {  	[tilespmem:s3], [sflag:$0x1] =	stream.linear.gather [hbm4b:s26+s3], $0x80, $0x38;
	[tilespmem:$0x18000] =	vst v63  }
0x6d: {  	p0 =	sne.s32 s25, $0x480;
	s25 =	sadd.s32 $0x10, s26  }
0x6e: {  	[tilespmem:s13], [sflag:$0x1] =	stream.linear.gather [hbm4b:s25+s3], $0x80, $0x38;
	[tilespmem:$0x18000] =	vst v63  }
0x6f: {  	s25 =	sadd.s32 $0x20, s26  }
0x70: {  	[tilespmem:s14], [sflag:$0x1] =	stream.linear.gather [hbm4b:s25+s3], $0x80, $0x38;
	[tilespmem:$0x18000] =	vst v63  }
0x71: {  	s25 =	sadd.s32 $0x30, s26  }
0x72: {  	[tilespmem:s15], [sflag:$0x1] =	stream.linear.gather [hbm4b:s25+s3], $0x80, $0x38;
	[tilespmem:$0x18000] =	vst v63  }
0x73: {  	s25 =	sadd.s32 $0x40, s26  }
0x74: {  	[tilespmem:s16], [sflag:$0x1] =	stream.linear.gather [hbm4b:s25+s3], $0x80, $0x38;
	[tilespmem:$0x18000] =	vst v63  }
0x75: {  	s25 =	sadd.s32 $0x50, s26  }
0x76: {  	[tilespmem:s17], [sflag:$0x1] =	stream.linear.gather [hbm4b:s25+s3], $0x80, $0x38;
	[tilespmem:$0x18000] =	vst v63  }
0x77: {  	s25 =	sadd.s32 $0x60, s26  }
0x78: {  	[tilespmem:s18], [sflag:$0x1] =	stream.linear.gather [hbm4b:s25+s3], $0x80, $0x38;
	[tilespmem:$0x18000] =	vst v63  }
0x79: {  	s25 =	sadd.s32 $0x70, s26  }
0x7a: {  	[tilespmem:s19], [sflag:$0x1] =	stream.linear.gather [hbm4b:s25+s3], $0x80, $0x38;
	[tilespmem:$0x18000] =	vst v63  }
0x7b: {  	_ =	swait.ge [sflag:s20], $0x80  }
0x7c: {  	[sflag:s20] =	ssyncset.done $0x0  }
0x7d: {  	[sflag:s20] =	ssyncadd.s32 $0xFFFFFF80  }
0x7e: {  	_ =	swait.ge [sflag:s20], $0x80  }
0x7f: {  	[sflag:s20] =	ssyncset.done $0x0  }
0x80: {  	[sflag:s20] =	ssyncadd.s32 $0xFFFFFF80  }
0x81: {  	_ =	swait.ge [sflag:s20], $0x80  }
0x82: {  	[sflag:s20] =	ssyncset.done $0x0  }
0x83: {  	[sflag:s20] =	ssyncadd.s32 $0xFFFFFF80  }
0x84: {  	_ =	swait.ge [sflag:s20], $0x80  }
0x85: {  	[sflag:s20] =	ssyncset.done $0x0  }
0x86: {  	[sflag:s20] =	ssyncadd.s32 $0xFFFFFF80  }
0x87: {  	_ =	swait.ge [sflag:s20], $0x80  }
0x88: {  	[sflag:s20] =	ssyncset.done $0x0  }
0x89: {  	[sflag:s20] =	ssyncadd.s32 $0xFFFFFF80  }
0x8a: {  	_ =	swait.ge [sflag:s20], $0x80  }
0x8b: {  	[sflag:s20] =	ssyncset.done $0x0  }
0x8c: {  	[sflag:s20] =	ssyncadd.s32 $0xFFFFFF80  }
0x8d: {  	_ =	swait.ge [sflag:s20], $0x80  }
0x8e: {  	[sflag:s20] =	ssyncset.done $0x0  }
0x8f: {  	[sflag:s20] =	ssyncadd.s32 $0xFFFFFF80  }
0x90: {  	_ =	swait.ge [sflag:s20], $0x80  }
0x91: {  	[sflag:s20] =	ssyncset.done $0x0  }
0x92: {  	[sflag:s20] =	ssyncadd.s32 $0xFFFFFF80  }
0x93: {  	[spmem:s2] =	stream.indirect.scatter.add.f32 [tilespmem:s12], [sflag:$0x2], $0x80, s3, s13, $0xb8;
	[tilespmem:$0x18000] =	vst v63  }
0x94: {  	_ = 	snop  }
0x95: {  	[spmem:s2] =	stream.indirect.scatter.add.f32 [tilespmem:s12], [sflag:$0x2], $0x80, s13, s13, $0xb8;
	[tilespmem:$0x18000] =	vst v63  }
0x96: {  	_ = 	snop  }
0x97: {  	[spmem:s2] =	stream.indirect.scatter.add.f32 [tilespmem:s12], [sflag:$0x2], $0x80, s14, s13, $0xb8;
	[tilespmem:$0x18000] =	vst v63  }
0x98: {  	_ = 	snop  }
0x99: {  	[spmem:s2] =	stream.indirect.scatter.add.f32 [tilespmem:s12], [sflag:$0x2], $0x80, s15, s13, $0xb8;
	[tilespmem:$0x18000] =	vst v63  }
0x9a: {  	_ = 	snop  }
0x9b: {  	[spmem:s2] =	stream.indirect.scatter.add.f32 [tilespmem:s12], [sflag:$0x2], $0x80, s16, s13, $0xb8;
	[tilespmem:$0x18000] =	vst v63  }
0x9c: {  	_ = 	snop  }
0x9d: {  	[spmem:s2] =	stream.indirect.scatter.add.f32 [tilespmem:s12], [sflag:$0x2], $0x80, s17, s13, $0xb8;
	[tilespmem:$0x18000] =	vst v63  }
0x9e: {  	_ = 	snop  }
0x9f: {  	[spmem:s2] =	stream.indirect.scatter.add.f32 [tilespmem:s12], [sflag:$0x2], $0x80, s18, s13, $0xb8;
	[tilespmem:$0x18000] =	vst v63  }
0xa0: {  	_ = 	snop  }
0xa1: {  	[spmem:s2] =	stream.indirect.scatter.add.f32 [tilespmem:s12], [sflag:$0x2], $0x80, s19, s13, $0xb8;
	[tilespmem:$0x18000] =	vst v63  }
0xa2: {  	_ =	swait.ge [sflag:s21], $0x4000  }
0xa3: {  	[sflag:s21] =	ssyncset.done $0x0  }
0xa4: {  	[sflag:s21] =	ssyncadd.s32 $0xFFFFC000  }
0xa5: {  	_ =	swait.ge [sflag:s21], $0x4000  }
0xa6: {  	[sflag:s21] =	ssyncset.done $0x0  }
0xa7: {  	[sflag:s21] =	ssyncadd.s32 $0xFFFFC000  }
0xa8: {  	_ =	swait.ge [sflag:s21], $0x4000  }
0xa9: {  	[sflag:s21] =	ssyncset.done $0x0  }
0xaa: {  	[sflag:s21] =	ssyncadd.s32 $0xFFFFC000  }
0xab: {  	_ =	swait.ge [sflag:s21], $0x4000  }
0xac: {  	[sflag:s21] =	ssyncset.done $0x0  }
0xad: {  	[sflag:s21] =	ssyncadd.s32 $0xFFFFC000  }
0xae: {  	_ =	swait.ge [sflag:s21], $0x4000  }
0xaf: {  	[sflag:s21] =	ssyncset.done $0x0  }
0xb0: {  	[sflag:s21] =	ssyncadd.s32 $0xFFFFC000  }
0xb1: {  	_ =	swait.ge [sflag:s21], $0x4000  }
0xb2: {  	[sflag:s21] =	ssyncset.done $0x0  }
0xb3: {  	[sflag:s21] =	ssyncadd.s32 $0xFFFFC000  }
.Ltmp0:
0xb4: {  	_ =	swait.ge [sflag:s21], $0x4000;
	(pc) =	sbr.rel @p0 .LBB2_2-.Ltmp0, $4  }
0xb5: {  	[sflag:s21] =	ssyncset.done $0x0  }
0xb6: {  	[sflag:s21] =	ssyncadd.s32 $0xFFFFC000  }
0xb7: {  	_ =	swait.ge [sflag:s21], $0x4000  }
0xb8: {  	s25 =	smov.u32 s24;
	[sflag:s21] =	ssyncset.done $0x0  }
0xb9: {  	s23 =	sadd.s32 s23, s9;
	[sflag:s21] =	ssyncadd.s32 $0xFFFFC000  }
0xba: {  	[tilespmem:s3], [sflag:$0x1] =	stream.linear.gather [hbm4b:s23+s3], $0x80, $0x38;
	[tilespmem:$0x18000] =	vst v63  }
0xbb: {  	s24 =	sadd.s32 $0x10, s23  }
0xbc: {  	[tilespmem:s13], [sflag:$0x1] =	stream.linear.gather [hbm4b:s24+s3], $0x80, $0x38;
	[tilespmem:$0x18000] =	vst v63  }
0xbd: {  	s26 =	sadd.s32 $0x20, s23  }
0xbe: {  	[tilespmem:s14], [sflag:$0x1] =	stream.linear.gather [hbm4b:s26+s3], $0x80, $0x38;
	[tilespmem:$0x18000] =	vst v63  }
0xbf: {  	s28 =	sadd.s32 $0x30, s23  }
0xc0: {  	[tilespmem:s15], [sflag:$0x1] =	stream.linear.gather [hbm4b:s28+s3], $0x80, $0x38;
	[tilespmem:$0x18000] =	vst v63  }
0xc1: {  	s29 =	sadd.s32 $0x40, s23  }
0xc2: {  	[tilespmem:s16], [sflag:$0x1] =	stream.linear.gather [hbm4b:s29+s3], $0x80, $0x38;
	[tilespmem:$0x18000] =	vst v63  }
0xc3: {  	s30 =	sadd.s32 $0x50, s23  }
0xc4: {  	[tilespmem:s17], [sflag:$0x1] =	stream.linear.gather [hbm4b:s30+s3], $0x80, $0x38;
	[tilespmem:$0x18000] =	vst v63  }
0xc5: {  	s31 =	sadd.s32 $0x60, s23  }
0xc6: {  	[tilespmem:s18], [sflag:$0x1] =	stream.linear.gather [hbm4b:s31+s3], $0x80, $0x38;
	[tilespmem:$0x18000] =	vst v63  }
0xc7: {  	s23 =	sadd.s32 $0x70, s23  }
0xc8: {  	[tilespmem:s19], [sflag:$0x1] =	stream.linear.gather [hbm4b:s23+s3], $0x80, $0x38;
	[tilespmem:$0x18000] =	vst v63  }
0xc9: {  	_ =	swait.ge [sflag:s20], $0x80  }
0xca: {  	[sflag:s20] =	ssyncset.done $0x0  }
0xcb: {  	[sflag:s20] =	ssyncadd.s32 $0xFFFFFF80  }
0xcc: {  	_ =	swait.ge [sflag:s20], $0x80  }
0xcd: {  	[sflag:s20] =	ssyncset.done $0x0  }
0xce: {  	[sflag:s20] =	ssyncadd.s32 $0xFFFFFF80  }
0xcf: {  	_ =	swait.ge [sflag:s20], $0x80  }
0xd0: {  	[sflag:s20] =	ssyncset.done $0x0  }
0xd1: {  	[sflag:s20] =	ssyncadd.s32 $0xFFFFFF80  }
0xd2: {  	_ =	swait.ge [sflag:s20], $0x80  }
0xd3: {  	[sflag:s20] =	ssyncset.done $0x0  }
0xd4: {  	[sflag:s20] =	ssyncadd.s32 $0xFFFFFF80  }
0xd5: {  	_ =	swait.ge [sflag:s20], $0x80  }
0xd6: {  	[sflag:s20] =	ssyncset.done $0x0  }
0xd7: {  	[sflag:s20] =	ssyncadd.s32 $0xFFFFFF80  }
0xd8: {  	_ =	swait.ge [sflag:s20], $0x80  }
0xd9: {  	[sflag:s20] =	ssyncset.done $0x0  }
0xda: {  	[sflag:s20] =	ssyncadd.s32 $0xFFFFFF80  }
0xdb: {  	_ =	swait.ge [sflag:s20], $0x80  }
0xdc: {  	[sflag:s20] =	ssyncset.done $0x0  }
0xdd: {  	[sflag:s20] =	ssyncadd.s32 $0xFFFFFF80  }
0xde: {  	_ =	swait.ge [sflag:s20], $0x80  }
0xdf: {  	[sflag:s20] =	ssyncset.done $0x0  }
0xe0: {  	[sflag:s20] =	ssyncadd.s32 $0xFFFFFF80  }
0xe1: {  	[spmem:s2] =	stream.indirect.scatter.add.f32 [tilespmem:s12], [sflag:$0x2], $0x80, s3, s13, $0xb8;
	[tilespmem:$0x18000] =	vst v63  }
0xe2: {  	_ = 	snop  }
0xe3: {  	[spmem:s2] =	stream.indirect.scatter.add.f32 [tilespmem:s12], [sflag:$0x2], $0x80, s13, s13, $0xb8;
	[tilespmem:$0x18000] =	vst v63  }
0xe4: {  	_ = 	snop  }
0xe5: {  	[spmem:s2] =	stream.indirect.scatter.add.f32 [tilespmem:s12], [sflag:$0x2], $0x80, s14, s13, $0xb8;
	[tilespmem:$0x18000] =	vst v63  }
0xe6: {  	_ = 	snop  }
0xe7: {  	[spmem:s2] =	stream.indirect.scatter.add.f32 [tilespmem:s12], [sflag:$0x2], $0x80, s15, s13, $0xb8;
	[tilespmem:$0x18000] =	vst v63  }
0xe8: {  	_ = 	snop  }
0xe9: {  	[spmem:s2] =	stream.indirect.scatter.add.f32 [tilespmem:s12], [sflag:$0x2], $0x80, s16, s13, $0xb8;
	[tilespmem:$0x18000] =	vst v63  }
0xea: {  	_ = 	snop  }
0xeb: {  	[spmem:s2] =	stream.indirect.scatter.add.f32 [tilespmem:s12], [sflag:$0x2], $0x80, s17, s13, $0xb8;
	[tilespmem:$0x18000] =	vst v63  }
0xec: {  	_ = 	snop  }
0xed: {  	[spmem:s2] =	stream.indirect.scatter.add.f32 [tilespmem:s12], [sflag:$0x2], $0x80, s18, s13, $0xb8;
	[tilespmem:$0x18000] =	vst v63  }
0xee: {  	_ = 	snop  }
0xef: {  	[spmem:s2] =	stream.indirect.scatter.add.f32 [tilespmem:s12], [sflag:$0x2], $0x80, s19, s13, $0xb8;
	[tilespmem:$0x18000] =	vst v63  }
0xf0: {  	_ =	swait.ge [sflag:s21], $0x4000  }
0xf1: {  	[sflag:s21] =	ssyncset.done $0x0  }
0xf2: {  	[sflag:s21] =	ssyncadd.s32 $0xFFFFC000  }
0xf3: {  	_ =	swait.ge [sflag:s21], $0x4000  }
0xf4: {  	[sflag:s21] =	ssyncset.done $0x0  }
0xf5: {  	[sflag:s21] =	ssyncadd.s32 $0xFFFFC000  }
0xf6: {  	_ =	swait.ge [sflag:s21], $0x4000  }
0xf7: {  	[sflag:s21] =	ssyncset.done $0x0  }
0xf8: {  	[sflag:s21] =	ssyncadd.s32 $0xFFFFC000  }
0xf9: {  	_ =	swait.ge [sflag:s21], $0x4000  }
0xfa: {  	[sflag:s21] =	ssyncset.done $0x0  }
0xfb: {  	[sflag:s21] =	ssyncadd.s32 $0xFFFFC000  }
0xfc: {  	_ =	swait.ge [sflag:s21], $0x4000  }
0xfd: {  	[sflag:s21] =	ssyncset.done $0x0  }
0xfe: {  	[sflag:s21] =	ssyncadd.s32 $0xFFFFC000  }
0xff: {  	_ =	swait.ge [sflag:s21], $0x4000  }
0x100: {  	[sflag:s21] =	ssyncset.done $0x0  }
0x101: {  	[sflag:s21] =	ssyncadd.s32 $0xFFFFC000  }
0x102: {  	_ =	swait.ge [sflag:s21], $0x4000  }
0x103: {  	[sflag:s21] =	ssyncset.done $0x0  }
0x104: {  	[sflag:s21] =	ssyncadd.s32 $0xFFFFC000  }
0x105: {  	_ =	swait.ge [sflag:s21], $0x4000  }
0x106: {  	s22 =	sadd.s32 $0x1, s22;
	[sflag:s21] =	ssyncset.done $0x0  }
0x107: {  	p0 =	sne.s32 s22, s8;
	[sflag:s21] =	ssyncadd.s32 $0xFFFFC000  }
.Ltmp1:
0x108: {  	[bflag:$0x0] =	sbarrier.arrive $0xFFFF;
	(pc) =	sbr.rel @p0 .LBB2_1-.Ltmp1, $4  }
0x109: {  	[hbm:s7], [sflag:s6] =	dma.local [spmem:s10], $0x2780  }
0x10a: {  	_ =	swait.ge [sflag:s11], $0x2780  }
0x10b: {  	[sflag:s11] =	ssyncset.done $0x0  }
0x10c: {  	[sflag:s11] =	ssyncadd.s32 $0xFFFFD880  }
0x10d: {  	_ =	sfence.sel $0x180000  }
0x10e: {  	[bflag:$0x0] =	sbarrier.arrive $0xFFFF  }
0x10f: {  	p0 =	sne.s32 s1, $0x0;
	_ =	strace $0x90000047  }
0x110: {  	s0 =	sadd.s32 @!p0 $0x100000, s0;
	[bflag:$0x2] =	sbarrier.arrive $0xFFFF  }
0x111: {  	[sflag:s0] =	ssyncadd.tile.s32 @!p0 $0x1;
	_ =	shalt  }
.Lfunc_end2:
_tile_overlayer_lowered:
.L_overlay_start_2:
0x112: {  	(tag) =	ssettag $0x2  }
0x113: {  	s0 =	rddreg [dreg:$0x0];
	s2 =	stileid.u32  }
0x114: {  	s1 =	rddreg [dreg:$0x1];
	p0 =	sne.s32 s2, $0x0  }
0x115: {  	s3 =	rddreg [dreg:$0x2];
	[bflag:$0x3] =	sbarrier.arrive $0xFFFF;
	s2 =	simm.s32 @!p0 $0x1C03  }
0x116: {  	[timem:s3], [sflag:s2] =	dma.local @!p0 [hbm:s0], s1  }
0x117: {  	s0 =	simm.s32 @!p0 $0x3  }
0x118: {  	_ =	swait.ge @!p0 [sflag:s0], s1  }
0x119: {  	s1 =	ssub.s32 @!p0 $0x0, s1;
	[sflag:s0] =	ssyncset.done @!p0 $0x0  }
0x11a: {  	[sflag:s0] =	ssyncadd.s32 @!p0 s1  }
0x11b: {  	[bflag:$0x3] =	sbarrier.arrive $0xFFFF  }
0x11c: {  	_ =	shalt  }

</sc_bundles>
